<compile_context>
chip_gen: v7x
topology: tpu7x:2x2x1
jax: 0.10.2.dev20260603
libtpu: 0.0.44.dev20260713+nightly
codegen_flags: <defaults>
</compile_context>

<pallas_src>
import functools

import jax
import jax.numpy as jnp
from jax import lax
from jax.experimental import pallas as pl
from jax.experimental.pallas import tpu as pltpu
from jax.experimental.pallas import tpu_sc as plsc

B = 1024
D = 512
C = 1000
K = 5
BLK = 128
NBLK = B // BLK

NW = 32
RPW = B // NW
L = 16
NCH = D // L

_sc_mesh = plsc.VectorSubcoreMesh(core_axis_name="c", subcore_axis_name="s")


@functools.partial(
    pl.kernel,
    out_type=jax.ShapeDtypeStruct((8, B), jnp.int32),
    mesh=_sc_mesh,
    compiler_params=pltpu.CompilerParams(needs_layout_passes=False),
    scratch_types=[
        pltpu.VMEM((RPW * D,), jnp.float32),
        pltpu.VMEM((RPW,), jnp.int32),
        pltpu.VMEM((RPW,), jnp.int32),
    ],
)
def _sc_keys(feat_hbm, out_hbm, feat_l, ka_l, kb_l):
    wid = lax.axis_index("s") * 2 + lax.axis_index("c")
    base = wid * RPW
    pltpu.sync_copy(feat_hbm.at[pl.ds(base * D, RPW * D)], feat_l)

    iota = lax.broadcasted_iota(jnp.int32, (L,), 0)
    mask0 = iota == 0
    neg_inf = jnp.full((L,), -jnp.inf, jnp.float32)

    def row_body(r, _):
        row0 = r * D
        idxs = []
        for _t in range(K):
            def chunk_body(c, carry):
                lane_max, lane_chunk = carry
                chunk = feat_l[pl.ds(row0 + c * L, L)]
                gt = chunk > lane_max
                lane_max = jnp.where(gt, chunk, lane_max)
                lane_chunk = jnp.where(gt, jnp.broadcast_to(c, (L,)),
                                       lane_chunk)
                return lane_max, lane_chunk

            lane_max, lane_chunk = lax.fori_loop(
                0, NCH, chunk_body,
                (jnp.full((L,), -jnp.inf, jnp.float32),
                 jnp.zeros((L,), jnp.int32)))
            gm = plsc.cummax(lane_max)[L - 1]
            cand = jnp.where(lane_max == gm, lane_chunk * L + iota, D)
            idx = -plsc.cummax(-cand)[L - 1]
            idxs.append(idx)
            plsc.store_scatter(feat_l, [jnp.broadcast_to(row0 + idx, (L,))],
                               neg_inf, mask=mask0)
        a = (idxs[0] * D + idxs[1]) * D + idxs[2]
        b = idxs[3] * D + idxs[4]
        plsc.store_scatter(ka_l, [jnp.broadcast_to(r, (L,))],
                           jnp.broadcast_to(a, (L,)), mask=mask0)
        plsc.store_scatter(kb_l, [jnp.broadcast_to(r, (L,))],
                           jnp.broadcast_to(b, (L,)), mask=mask0)
        return _

    lax.fori_loop(0, RPW, row_body, 0)
    pltpu.sync_copy(ka_l, out_hbm.at[0, pl.ds(base, RPW)])
    pltpu.sync_copy(kb_l, out_hbm.at[1, pl.ds(base, RPW)])


def _tc_body(p_hbm, r_hbm, keys_hbm, out_ref,
             p_v, r_v, keys_v, sem_k, sem_p, sem_r):
    cp_k = pltpu.make_async_copy(keys_hbm, keys_v, sem_k)
    cp_p = pltpu.make_async_copy(p_hbm, p_v, sem_p)
    cp_r = pltpu.make_async_copy(r_hbm, r_v, sem_r)
    cp_k.start()
    cp_p.start()
    cp_r.start()
    cp_k.wait()
    cp_p.wait()
    cp_r.wait()

    ka = keys_v[0:1, :]
    kb = keys_v[1:2, :]
    HBB = B // 4
    acc = jnp.zeros((1, 1), jnp.float32)
    for k in range(4):
        prod = jax.lax.dot_general(
            p_v[k * HBB:(k + 1) * HBB, :], r_v[:],
            (((1,), (1,)), ((), ())),
            preferred_element_type=jnp.float32)
        my_a = jnp.reshape(ka[:, k * HBB:(k + 1) * HBB], (HBB, 1))
        my_b = jnp.reshape(kb[:, k * HBB:(k + 1) * HBB], (HBB, 1))
        simb = (my_a == ka) & (my_b == kb)
        arg = jnp.where(simb, prod, 1.0 - prod)
        loss = jnp.maximum(jnp.log(arg), -100.0)
        acc += jnp.full((1, 1), -1.0 / (B * B)) * jnp.sum(loss)
    out_ref[:, :] = acc


@jax.jit
def kernel(unlabel_feat, unlabel_prob, rot_unlabel_prob):
    keys = _sc_keys(unlabel_feat.reshape(-1))
    out = pl.pallas_call(
        _tc_body,
        grid=(1,),
        in_specs=[
            pl.BlockSpec(memory_space=pl.ANY),
            pl.BlockSpec(memory_space=pl.ANY),
            pl.BlockSpec(memory_space=pl.ANY),
        ],
        out_specs=pl.BlockSpec((1, 1), lambda i: (0, 0)),
        out_shape=jax.ShapeDtypeStruct((1, 1), jnp.float32),
        scratch_shapes=[
            pltpu.VMEM((B, C), jnp.float32),
            pltpu.VMEM((B, C), jnp.float32),
            pltpu.VMEM((8, B), jnp.int32),
            pltpu.SemaphoreType.DMA,
            pltpu.SemaphoreType.DMA,
            pltpu.SemaphoreType.DMA,
        ],
    )(unlabel_prob, rot_unlabel_prob, keys)
    return out[0, 0]

# --- scband reference (transcript-rebuilt; emitter-appended) ---
"""Pipeline reference for scband-similar-bce-5222680232708 (READ-ONLY COPY).

The authoritative reference and input builder live on the scoring server;
editing this copy changes nothing except your own understanding.
"""

import jax, jax.numpy as jnp
import numpy as np

B = 1024
D = 512
C = 1000
K = 5


def setup_inputs(seed: int = 0) -> dict:
    key = jax.random.key(seed)
    k1, k2, k3 = jax.random.split(key, 3)
    unlabel_feat = jax.random.normal(k1, (B, D), dtype=jnp.float32)
    # probability-like rows so that prod = p @ q.T lies in [0, 1] (valid BCE input)
    up = jax.random.uniform(k2, (B, C), dtype=jnp.float32)
    unlabel_prob = up / jnp.sum(up, axis=1, keepdims=True)
    rp = jax.random.uniform(k3, (B, C), dtype=jnp.float32)
    rot_unlabel_prob = rp / jnp.sum(rp, axis=1, keepdims=True)
    return {
        "unlabel_feat": unlabel_feat,
        "unlabel_prob": unlabel_prob,
        "rot_unlabel_prob": rot_unlabel_prob,
    }


def _is_similar(unlabel_feat, k=K):
    # top-k indices per row: (B, k)
    top_k = jax.lax.top_k(unlabel_feat, k)[1]
    # pairwise: rows i, j similar iff all k top indices match (order-sensitive, as in torch)
    sim = jnp.all(top_k[:, None, :] == top_k[None, :, :], axis=-1)
    return sim.astype(jnp.float32)


def reference(unlabel_feat, unlabel_prob, rot_unlabel_prob):
    prod = unlabel_prob @ rot_unlabel_prob.T  # (B, B), entries in [0, 1]
    similar_label = _is_similar(unlabel_feat, K)
    # F.binary_cross_entropy with log clamped at -100 (torch semantics)
    log_p = jnp.clip(jnp.log(prod), -100.0, None)
    log_1mp = jnp.clip(jnp.log(1.0 - prod), -100.0, None)
    loss = -(similar_label * log_p + (1.0 - similar_label) * log_1mp)
    return jnp.mean(loss)

if __name__ == "__main__":
    import jax
    _d = setup_inputs()
    print(jax.jit(kernel)(*tuple(_d.values())))

</pallas_src>

<mosaic_0001>
#map = affine_map<(d0, d1) -> (0)>
#map1 = affine_map<(d0, d1) -> (0, 0)>
module attributes {stable_mosaic.version = 14 : i64} {
  func.func @_sc_keys(%arg0: i32, %arg1: i32, %arg2: memref<524288xf32, #tpu.memory_space<hbm>>, %arg3: memref<8x1024xi32, #tpu.memory_space<hbm>>, %arg4: memref<16384xf32, #tpu.memory_space<vmem>>, %arg5: memref<32xi32, #tpu.memory_space<vmem>>, %arg6: memref<32xi32, #tpu.memory_space<vmem>>) attributes {dimension_semantics = [#tpu.dimension_semantics<core_parallel>, #tpu.dimension_semantics<subcore_parallel>], iteration_bounds = array<i64: 2, 16>, scalar_prefetch = 0 : i64, scratch_operands = 3 : i64, tpu.core_type = #tpu.core_type<sc_vector_subcore>, window_params = [{transform_indices = #map}, {transform_indices = #map1}]} {
    %mul3A = arith.constant 2 : i32
    %mul3A_0 = arith.muli %arg1, %mul3A : i32
    %add3A = arith.addi %mul3A_0, %arg0 : i32
    %mul3A_1 = arith.constant 32 : i32
    %mul3A_2 = arith.muli %add3A, %mul3A_1 : i32
    %mul3A_3 = arith.constant 512 : i32
    %mul3A_4 = arith.muli %mul3A_2, %mul3A_3 : i32
    "tpu.region"() ({
      %run_scoped3A_14 = tpu.sem_alloc : memref<!tpu.dma_semaphore, #tpu.memory_space<semaphore_mem>>
      %dma_start3A = tpu.memref_slice %arg2[%mul3A_4] : memref<524288xf32, #tpu.memory_space<hbm>> -> memref<16384xf32, #tpu.memory_space<hbm>>
      %dma_start3A_15 = tpu.memref_slice %arg2[%mul3A_4] : memref<524288xf32, #tpu.memory_space<hbm>> -> memref<16384xf32, #tpu.memory_space<hbm>>
      tpu.enqueue_dma source(%dma_start3A_15 : memref<16384xf32, #tpu.memory_space<hbm>>) target(%arg4 : memref<16384xf32, #tpu.memory_space<vmem>>) target_semaphore(%run_scoped3A_14 : memref<!tpu.dma_semaphore, #tpu.memory_space<semaphore_mem>>)
      %dma_wait3A = tpu.memref_slice %arg2[%mul3A_4] : memref<524288xf32, #tpu.memory_space<hbm>> -> memref<16384xf32, #tpu.memory_space<hbm>>
      %dma_wait3A_16 = tpu.memref_slice %arg2[%mul3A_4] : memref<524288xf32, #tpu.memory_space<hbm>> -> memref<16384xf32, #tpu.memory_space<hbm>>
      tpu.wait_dma2 semaphore(%run_scoped3A_14 : memref<!tpu.dma_semaphore, #tpu.memory_space<semaphore_mem>>) src(%dma_wait3A_16 : memref<16384xf32, #tpu.memory_space<hbm>>) dst(%arg4 : memref<16384xf32, #tpu.memory_space<vmem>>)
      tpu.yield
    }) : () -> ()
    %iota3A = tpu.iota {dimensions = array<i32: 0>} : vector<16xi32>
    %eq3A = arith.constant 0 : i32
    %eq3A_5 = vector.broadcast %eq3A : i32 to vector<16xi32>
    %eq3A_6 = arith.cmpi eq, %iota3A, %eq3A_5 : vector<16xi32>
    %broadcast_in_dim3A = arith.constant 0xFF800000 : f32
    %broadcast_in_dim3A_7 = vector.broadcast %broadcast_in_dim3A : f32 to vector<16xf32>
    %scan3A = arith.constant 0 : i32
    %scan3A_8 = arith.constant 0 : i32
    %scan3A_9 = arith.constant 32 : i32
    %scan3A_10 = arith.addi %scan3A_8, %scan3A_9 : i32
    %scan3A_11 = arith.constant 1 : i32
    scf.for %scan3A_14 = %scan3A_8 to %scan3A_10 step %scan3A_11  : i32 {
      %mul3A_15 = arith.constant 512 : i32
      %mul3A_16 = arith.muli %scan3A_14, %mul3A_15 : i32
      %broadcast_in_dim3A_17 = arith.constant 0xFF800000 : f32
      %broadcast_in_dim3A_18 = vector.broadcast %broadcast_in_dim3A_17 : f32 to vector<16xf32>
      %broadcast_in_dim3A_19 = arith.constant 0 : i32
      %broadcast_in_dim3A_20 = vector.broadcast %broadcast_in_dim3A_19 : i32 to vector<16xi32>
      %scan3A_21 = arith.constant 0 : i32
      %scan3A_22 = arith.constant 32 : i32
      %scan3A_23 = arith.addi %scan3A_21, %scan3A_22 : i32
      %scan3A_24 = arith.constant 1 : i32
      %scan3A_25:2 = scf.for %scan3A_224 = %scan3A_21 to %scan3A_23 step %scan3A_24 iter_args(%scan3A_225 = %broadcast_in_dim3A_18, %scan3A_226 = %broadcast_in_dim3A_20) -> (vector<16xf32>, vector<16xi32>)  : i32 {
        %mul3A_227 = arith.constant 16 : i32
        %mul3A_228 = arith.muli %scan3A_224, %mul3A_227 : i32
        %add3A_229 = arith.addi %mul3A_16, %mul3A_228 : i32
        %get3A = arith.index_cast %add3A_229 : i32 to index
        %get3A_230 = tpu.vector_load %arg4[%get3A] {strides = array<i32>} : memref<16384xf32, #tpu.memory_space<vmem>>, vector<16xf32>,
        %gt3A = arith.cmpf ogt, %get3A_230, %scan3A_225 : vector<16xf32>
        %select_n3A_231 = arith.select %gt3A, %get3A_230, %scan3A_225 : vector<16xi1>, vector<16xf32>
        %broadcast_in_dim3A_232 = vector.broadcast %scan3A_224 : i32 to vector<16xi32>
        %select_n3A_233 = arith.select %gt3A, %broadcast_in_dim3A_232, %scan3A_226 : vector<16xi1>, vector<16xi32>
        scf.yield %select_n3A_231, %select_n3A_233 : vector<16xf32>, vector<16xi32>
      }
      %scan3A_26 = arith.constant 32 : i32
      %broadcast_in_dim3A_27 = arith.constant true
      %broadcast_in_dim3A_28 = vector.broadcast %broadcast_in_dim3A_27 : i1 to vector<16xi1>
      %masked_cummax3A = tpu.scan <max>, %scan3A_25#0 masked %broadcast_in_dim3A_28 : vector<16xf32>, vector<16xi1> -> vector<16xf32>
      %slice3A = vector.extract_strided_slice %masked_cummax3A {offsets = [15], sizes = [1], strides = [1]} : vector<16xf32> to vector<1xf32>
      %squeeze3A = vector.extract %slice3A[0] : f32 from vector<1xf32>
      %eq3A_29 = vector.broadcast %squeeze3A : f32 to vector<16xf32>
      %eq3A_30 = arith.cmpf oeq, %scan3A_25#0, %eq3A_29 : vector<16xf32>
      %mul3A_31 = arith.constant 16 : i32
      %mul3A_32 = vector.broadcast %mul3A_31 : i32 to vector<16xi32>
      %mul3A_33 = arith.muli %scan3A_25#1, %mul3A_32 : vector<16xi32>
      %add3A_34 = arith.addi %mul3A_33, %iota3A : vector<16xi32>
      %jit3A = arith.constant 512 : i32
      %broadcast_in_dim3A_35 = vector.broadcast %jit3A : i32 to vector<16xi32>
      %select_n3A = arith.select %eq3A_30, %add3A_34, %broadcast_in_dim3A_35 : vector<16xi1>, vector<16xi32>
      %neg3A = arith.constant 0 : i32
      %neg3A_36 = vector.broadcast %neg3A : i32 to vector<16xi32>
      %neg3A_37 = arith.subi %neg3A_36, %select_n3A : vector<16xi32>
      %broadcast_in_dim3A_38 = arith.constant true
      %broadcast_in_dim3A_39 = vector.broadcast %broadcast_in_dim3A_38 : i1 to vector<16xi1>
      %masked_cummax3A_40 = arith.constant -2147483648 : i32
      %masked_cummax3A_41 = vector.broadcast %masked_cummax3A_40 : i32 to vector<16xi32>
      %masked_cummax3A_42 = arith.xori %neg3A_37, %masked_cummax3A_41 : vector<16xi32>
      %masked_cummax3A_43 = tpu.scan <max>, %masked_cummax3A_42 masked %broadcast_in_dim3A_39 : vector<16xi32>, vector<16xi1> -> vector<16xi32>
      %masked_cummax3A_44 = arith.xori %masked_cummax3A_43, %masked_cummax3A_41 : vector<16xi32>
      %slice3A_45 = vector.extract_strided_slice %masked_cummax3A_44 {offsets = [15], sizes = [1], strides = [1]} : vector<16xi32> to vector<1xi32>
      %squeeze3A_46 = vector.extract %slice3A_45[0] : i32 from vector<1xi32>
      %neg3A_47 = arith.constant 0 : i32
      %neg3A_48 = arith.subi %neg3A_47, %squeeze3A_46 : i32
      %add3A_49 = arith.addi %mul3A_16, %neg3A_48 : i32
      %broadcast_in_dim3A_50 = vector.broadcast %add3A_49 : i32 to vector<16xi32>
      tpu.vector_store_idx %arg4[%broadcast_in_dim3A_50], %broadcast_in_dim3A_7 masked %eq3A_6 : memref<16384xf32, #tpu.memory_space<vmem>>[vector<16xi32>], vector<16xf32>, vector<16xi1>
      %broadcast_in_dim3A_51 = arith.constant 0xFF800000 : f32
      %broadcast_in_dim3A_52 = vector.broadcast %broadcast_in_dim3A_51 : f32 to vector<16xf32>
      %broadcast_in_dim3A_53 = arith.constant 0 : i32
      %broadcast_in_dim3A_54 = vector.broadcast %broadcast_in_dim3A_53 : i32 to vector<16xi32>
      %scan3A_55 = arith.constant 0 : i32
      %scan3A_56 = arith.constant 32 : i32
      %scan3A_57 = arith.addi %scan3A_55, %scan3A_56 : i32
      %scan3A_58 = arith.constant 1 : i32
      %scan3A_59:2 = scf.for %scan3A_224 = %scan3A_55 to %scan3A_57 step %scan3A_58 iter_args(%scan3A_225 = %broadcast_in_dim3A_52, %scan3A_226 = %broadcast_in_dim3A_54) -> (vector<16xf32>, vector<16xi32>)  : i32 {
        %mul3A_227 = arith.constant 16 : i32
        %mul3A_228 = arith.muli %scan3A_224, %mul3A_227 : i32
        %add3A_229 = arith.addi %mul3A_16, %mul3A_228 : i32
        %get3A = arith.index_cast %add3A_229 : i32 to index
        %get3A_230 = tpu.vector_load %arg4[%get3A] {strides = array<i32>} : memref<16384xf32, #tpu.memory_space<vmem>>, vector<16xf32>,
        %gt3A = arith.cmpf ogt, %get3A_230, %scan3A_225 : vector<16xf32>
        %select_n3A_231 = arith.select %gt3A, %get3A_230, %scan3A_225 : vector<16xi1>, vector<16xf32>
        %broadcast_in_dim3A_232 = vector.broadcast %scan3A_224 : i32 to vector<16xi32>
        %select_n3A_233 = arith.select %gt3A, %broadcast_in_dim3A_232, %scan3A_226 : vector<16xi1>, vector<16xi32>
        scf.yield %select_n3A_231, %select_n3A_233 : vector<16xf32>, vector<16xi32>
      }
      %scan3A_60 = arith.constant 32 : i32
      %broadcast_in_dim3A_61 = arith.constant true
      %broadcast_in_dim3A_62 = vector.broadcast %broadcast_in_dim3A_61 : i1 to vector<16xi1>
      %masked_cummax3A_63 = tpu.scan <max>, %scan3A_59#0 masked %broadcast_in_dim3A_62 : vector<16xf32>, vector<16xi1> -> vector<16xf32>
      %slice3A_64 = vector.extract_strided_slice %masked_cummax3A_63 {offsets = [15], sizes = [1], strides = [1]} : vector<16xf32> to vector<1xf32>
      %squeeze3A_65 = vector.extract %slice3A_64[0] : f32 from vector<1xf32>
      %eq3A_66 = vector.broadcast %squeeze3A_65 : f32 to vector<16xf32>
      %eq3A_67 = arith.cmpf oeq, %scan3A_59#0, %eq3A_66 : vector<16xf32>
      %mul3A_68 = arith.constant 16 : i32
      %mul3A_69 = vector.broadcast %mul3A_68 : i32 to vector<16xi32>
      %mul3A_70 = arith.muli %scan3A_59#1, %mul3A_69 : vector<16xi32>
      %add3A_71 = arith.addi %mul3A_70, %iota3A : vector<16xi32>
      %jit3A_72 = arith.constant 512 : i32
      %broadcast_in_dim3A_73 = vector.broadcast %jit3A_72 : i32 to vector<16xi32>
      %select_n3A_74 = arith.select %eq3A_67, %add3A_71, %broadcast_in_dim3A_73 : vector<16xi1>, vector<16xi32>
      %neg3A_75 = arith.constant 0 : i32
      %neg3A_76 = vector.broadcast %neg3A_75 : i32 to vector<16xi32>
      %neg3A_77 = arith.subi %neg3A_76, %select_n3A_74 : vector<16xi32>
      %broadcast_in_dim3A_78 = arith.constant true
      %broadcast_in_dim3A_79 = vector.broadcast %broadcast_in_dim3A_78 : i1 to vector<16xi1>
      %masked_cummax3A_80 = arith.constant -2147483648 : i32
      %masked_cummax3A_81 = vector.broadcast %masked_cummax3A_80 : i32 to vector<16xi32>
      %masked_cummax3A_82 = arith.xori %neg3A_77, %masked_cummax3A_81 : vector<16xi32>
      %masked_cummax3A_83 = tpu.scan <max>, %masked_cummax3A_82 masked %broadcast_in_dim3A_79 : vector<16xi32>, vector<16xi1> -> vector<16xi32>
      %masked_cummax3A_84 = arith.xori %masked_cummax3A_83, %masked_cummax3A_81 : vector<16xi32>
      %slice3A_85 = vector.extract_strided_slice %masked_cummax3A_84 {offsets = [15], sizes = [1], strides = [1]} : vector<16xi32> to vector<1xi32>
      %squeeze3A_86 = vector.extract %slice3A_85[0] : i32 from vector<1xi32>
      %neg3A_87 = arith.constant 0 : i32
      %neg3A_88 = arith.subi %neg3A_87, %squeeze3A_86 : i32
      %add3A_89 = arith.addi %mul3A_16, %neg3A_88 : i32
      %broadcast_in_dim3A_90 = vector.broadcast %add3A_89 : i32 to vector<16xi32>
      tpu.vector_store_idx %arg4[%broadcast_in_dim3A_90], %broadcast_in_dim3A_7 masked %eq3A_6 : memref<16384xf32, #tpu.memory_space<vmem>>[vector<16xi32>], vector<16xf32>, vector<16xi1>
      %broadcast_in_dim3A_91 = arith.constant 0xFF800000 : f32
      %broadcast_in_dim3A_92 = vector.broadcast %broadcast_in_dim3A_91 : f32 to vector<16xf32>
      %broadcast_in_dim3A_93 = arith.constant 0 : i32
      %broadcast_in_dim3A_94 = vector.broadcast %broadcast_in_dim3A_93 : i32 to vector<16xi32>
      %scan3A_95 = arith.constant 0 : i32
      %scan3A_96 = arith.constant 32 : i32
      %scan3A_97 = arith.addi %scan3A_95, %scan3A_96 : i32
      %scan3A_98 = arith.constant 1 : i32
      %scan3A_99:2 = scf.for %scan3A_224 = %scan3A_95 to %scan3A_97 step %scan3A_98 iter_args(%scan3A_225 = %broadcast_in_dim3A_92, %scan3A_226 = %broadcast_in_dim3A_94) -> (vector<16xf32>, vector<16xi32>)  : i32 {
        %mul3A_227 = arith.constant 16 : i32
        %mul3A_228 = arith.muli %scan3A_224, %mul3A_227 : i32
        %add3A_229 = arith.addi %mul3A_16, %mul3A_228 : i32
        %get3A = arith.index_cast %add3A_229 : i32 to index
        %get3A_230 = tpu.vector_load %arg4[%get3A] {strides = array<i32>} : memref<16384xf32, #tpu.memory_space<vmem>>, vector<16xf32>,
        %gt3A = arith.cmpf ogt, %get3A_230, %scan3A_225 : vector<16xf32>
        %select_n3A_231 = arith.select %gt3A, %get3A_230, %scan3A_225 : vector<16xi1>, vector<16xf32>
        %broadcast_in_dim3A_232 = vector.broadcast %scan3A_224 : i32 to vector<16xi32>
        %select_n3A_233 = arith.select %gt3A, %broadcast_in_dim3A_232, %scan3A_226 : vector<16xi1>, vector<16xi32>
        scf.yield %select_n3A_231, %select_n3A_233 : vector<16xf32>, vector<16xi32>
      }
      %scan3A_100 = arith.constant 32 : i32
      %broadcast_in_dim3A_101 = arith.constant true
      %broadcast_in_dim3A_102 = vector.broadcast %broadcast_in_dim3A_101 : i1 to vector<16xi1>
      %masked_cummax3A_103 = tpu.scan <max>, %scan3A_99#0 masked %broadcast_in_dim3A_102 : vector<16xf32>, vector<16xi1> -> vector<16xf32>
      %slice3A_104 = vector.extract_strided_slice %masked_cummax3A_103 {offsets = [15], sizes = [1], strides = [1]} : vector<16xf32> to vector<1xf32>
      %squeeze3A_105 = vector.extract %slice3A_104[0] : f32 from vector<1xf32>
      %eq3A_106 = vector.broadcast %squeeze3A_105 : f32 to vector<16xf32>
      %eq3A_107 = arith.cmpf oeq, %scan3A_99#0, %eq3A_106 : vector<16xf32>
      %mul3A_108 = arith.constant 16 : i32
      %mul3A_109 = vector.broadcast %mul3A_108 : i32 to vector<16xi32>
      %mul3A_110 = arith.muli %scan3A_99#1, %mul3A_109 : vector<16xi32>
      %add3A_111 = arith.addi %mul3A_110, %iota3A : vector<16xi32>
      %jit3A_112 = arith.constant 512 : i32
      %broadcast_in_dim3A_113 = vector.broadcast %jit3A_112 : i32 to vector<16xi32>
      %select_n3A_114 = arith.select %eq3A_107, %add3A_111, %broadcast_in_dim3A_113 : vector<16xi1>, vector<16xi32>
      %neg3A_115 = arith.constant 0 : i32
      %neg3A_116 = vector.broadcast %neg3A_115 : i32 to vector<16xi32>
      %neg3A_117 = arith.subi %neg3A_116, %select_n3A_114 : vector<16xi32>
      %broadcast_in_dim3A_118 = arith.constant true
      %broadcast_in_dim3A_119 = vector.broadcast %broadcast_in_dim3A_118 : i1 to vector<16xi1>
      %masked_cummax3A_120 = arith.constant -2147483648 : i32
      %masked_cummax3A_121 = vector.broadcast %masked_cummax3A_120 : i32 to vector<16xi32>
      %masked_cummax3A_122 = arith.xori %neg3A_117, %masked_cummax3A_121 : vector<16xi32>
      %masked_cummax3A_123 = tpu.scan <max>, %masked_cummax3A_122 masked %broadcast_in_dim3A_119 : vector<16xi32>, vector<16xi1> -> vector<16xi32>
      %masked_cummax3A_124 = arith.xori %masked_cummax3A_123, %masked_cummax3A_121 : vector<16xi32>
      %slice3A_125 = vector.extract_strided_slice %masked_cummax3A_124 {offsets = [15], sizes = [1], strides = [1]} : vector<16xi32> to vector<1xi32>
      %squeeze3A_126 = vector.extract %slice3A_125[0] : i32 from vector<1xi32>
      %neg3A_127 = arith.constant 0 : i32
      %neg3A_128 = arith.subi %neg3A_127, %squeeze3A_126 : i32
      %add3A_129 = arith.addi %mul3A_16, %neg3A_128 : i32
      %broadcast_in_dim3A_130 = vector.broadcast %add3A_129 : i32 to vector<16xi32>
      tpu.vector_store_idx %arg4[%broadcast_in_dim3A_130], %broadcast_in_dim3A_7 masked %eq3A_6 : memref<16384xf32, #tpu.memory_space<vmem>>[vector<16xi32>], vector<16xf32>, vector<16xi1>
      %broadcast_in_dim3A_131 = arith.constant 0xFF800000 : f32
      %broadcast_in_dim3A_132 = vector.broadcast %broadcast_in_dim3A_131 : f32 to vector<16xf32>
      %broadcast_in_dim3A_133 = arith.constant 0 : i32
      %broadcast_in_dim3A_134 = vector.broadcast %broadcast_in_dim3A_133 : i32 to vector<16xi32>
      %scan3A_135 = arith.constant 0 : i32
      %scan3A_136 = arith.constant 32 : i32
      %scan3A_137 = arith.addi %scan3A_135, %scan3A_136 : i32
      %scan3A_138 = arith.constant 1 : i32
      %scan3A_139:2 = scf.for %scan3A_224 = %scan3A_135 to %scan3A_137 step %scan3A_138 iter_args(%scan3A_225 = %broadcast_in_dim3A_132, %scan3A_226 = %broadcast_in_dim3A_134) -> (vector<16xf32>, vector<16xi32>)  : i32 {
        %mul3A_227 = arith.constant 16 : i32
        %mul3A_228 = arith.muli %scan3A_224, %mul3A_227 : i32
        %add3A_229 = arith.addi %mul3A_16, %mul3A_228 : i32
        %get3A = arith.index_cast %add3A_229 : i32 to index
        %get3A_230 = tpu.vector_load %arg4[%get3A] {strides = array<i32>} : memref<16384xf32, #tpu.memory_space<vmem>>, vector<16xf32>,
        %gt3A = arith.cmpf ogt, %get3A_230, %scan3A_225 : vector<16xf32>
        %select_n3A_231 = arith.select %gt3A, %get3A_230, %scan3A_225 : vector<16xi1>, vector<16xf32>
        %broadcast_in_dim3A_232 = vector.broadcast %scan3A_224 : i32 to vector<16xi32>
        %select_n3A_233 = arith.select %gt3A, %broadcast_in_dim3A_232, %scan3A_226 : vector<16xi1>, vector<16xi32>
        scf.yield %select_n3A_231, %select_n3A_233 : vector<16xf32>, vector<16xi32>
      }
      %scan3A_140 = arith.constant 32 : i32
      %broadcast_in_dim3A_141 = arith.constant true
      %broadcast_in_dim3A_142 = vector.broadcast %broadcast_in_dim3A_141 : i1 to vector<16xi1>
      %masked_cummax3A_143 = tpu.scan <max>, %scan3A_139#0 masked %broadcast_in_dim3A_142 : vector<16xf32>, vector<16xi1> -> vector<16xf32>
      %slice3A_144 = vector.extract_strided_slice %masked_cummax3A_143 {offsets = [15], sizes = [1], strides = [1]} : vector<16xf32> to vector<1xf32>
      %squeeze3A_145 = vector.extract %slice3A_144[0] : f32 from vector<1xf32>
      %eq3A_146 = vector.broadcast %squeeze3A_145 : f32 to vector<16xf32>
      %eq3A_147 = arith.cmpf oeq, %scan3A_139#0, %eq3A_146 : vector<16xf32>
      %mul3A_148 = arith.constant 16 : i32
      %mul3A_149 = vector.broadcast %mul3A_148 : i32 to vector<16xi32>
      %mul3A_150 = arith.muli %scan3A_139#1, %mul3A_149 : vector<16xi32>
      %add3A_151 = arith.addi %mul3A_150, %iota3A : vector<16xi32>
      %jit3A_152 = arith.constant 512 : i32
      %broadcast_in_dim3A_153 = vector.broadcast %jit3A_152 : i32 to vector<16xi32>
      %select_n3A_154 = arith.select %eq3A_147, %add3A_151, %broadcast_in_dim3A_153 : vector<16xi1>, vector<16xi32>
      %neg3A_155 = arith.constant 0 : i32
      %neg3A_156 = vector.broadcast %neg3A_155 : i32 to vector<16xi32>
      %neg3A_157 = arith.subi %neg3A_156, %select_n3A_154 : vector<16xi32>
      %broadcast_in_dim3A_158 = arith.constant true
      %broadcast_in_dim3A_159 = vector.broadcast %broadcast_in_dim3A_158 : i1 to vector<16xi1>
      %masked_cummax3A_160 = arith.constant -2147483648 : i32
      %masked_cummax3A_161 = vector.broadcast %masked_cummax3A_160 : i32 to vector<16xi32>
      %masked_cummax3A_162 = arith.xori %neg3A_157, %masked_cummax3A_161 : vector<16xi32>
      %masked_cummax3A_163 = tpu.scan <max>, %masked_cummax3A_162 masked %broadcast_in_dim3A_159 : vector<16xi32>, vector<16xi1> -> vector<16xi32>
      %masked_cummax3A_164 = arith.xori %masked_cummax3A_163, %masked_cummax3A_161 : vector<16xi32>
      %slice3A_165 = vector.extract_strided_slice %masked_cummax3A_164 {offsets = [15], sizes = [1], strides = [1]} : vector<16xi32> to vector<1xi32>
      %squeeze3A_166 = vector.extract %slice3A_165[0] : i32 from vector<1xi32>
      %neg3A_167 = arith.constant 0 : i32
      %neg3A_168 = arith.subi %neg3A_167, %squeeze3A_166 : i32
      %add3A_169 = arith.addi %mul3A_16, %neg3A_168 : i32
      %broadcast_in_dim3A_170 = vector.broadcast %add3A_169 : i32 to vector<16xi32>
      tpu.vector_store_idx %arg4[%broadcast_in_dim3A_170], %broadcast_in_dim3A_7 masked %eq3A_6 : memref<16384xf32, #tpu.memory_space<vmem>>[vector<16xi32>], vector<16xf32>, vector<16xi1>
      %broadcast_in_dim3A_171 = arith.constant 0xFF800000 : f32
      %broadcast_in_dim3A_172 = vector.broadcast %broadcast_in_dim3A_171 : f32 to vector<16xf32>
      %broadcast_in_dim3A_173 = arith.constant 0 : i32
      %broadcast_in_dim3A_174 = vector.broadcast %broadcast_in_dim3A_173 : i32 to vector<16xi32>
      %scan3A_175 = arith.constant 0 : i32
      %scan3A_176 = arith.constant 32 : i32
      %scan3A_177 = arith.addi %scan3A_175, %scan3A_176 : i32
      %scan3A_178 = arith.constant 1 : i32
      %scan3A_179:2 = scf.for %scan3A_224 = %scan3A_175 to %scan3A_177 step %scan3A_178 iter_args(%scan3A_225 = %broadcast_in_dim3A_172, %scan3A_226 = %broadcast_in_dim3A_174) -> (vector<16xf32>, vector<16xi32>)  : i32 {
        %mul3A_227 = arith.constant 16 : i32
        %mul3A_228 = arith.muli %scan3A_224, %mul3A_227 : i32
        %add3A_229 = arith.addi %mul3A_16, %mul3A_228 : i32
        %get3A = arith.index_cast %add3A_229 : i32 to index
        %get3A_230 = tpu.vector_load %arg4[%get3A] {strides = array<i32>} : memref<16384xf32, #tpu.memory_space<vmem>>, vector<16xf32>,
        %gt3A = arith.cmpf ogt, %get3A_230, %scan3A_225 : vector<16xf32>
        %select_n3A_231 = arith.select %gt3A, %get3A_230, %scan3A_225 : vector<16xi1>, vector<16xf32>
        %broadcast_in_dim3A_232 = vector.broadcast %scan3A_224 : i32 to vector<16xi32>
        %select_n3A_233 = arith.select %gt3A, %broadcast_in_dim3A_232, %scan3A_226 : vector<16xi1>, vector<16xi32>
        scf.yield %select_n3A_231, %select_n3A_233 : vector<16xf32>, vector<16xi32>
      }
      %scan3A_180 = arith.constant 32 : i32
      %broadcast_in_dim3A_181 = arith.constant true
      %broadcast_in_dim3A_182 = vector.broadcast %broadcast_in_dim3A_181 : i1 to vector<16xi1>
      %masked_cummax3A_183 = tpu.scan <max>, %scan3A_179#0 masked %broadcast_in_dim3A_182 : vector<16xf32>, vector<16xi1> -> vector<16xf32>
      %slice3A_184 = vector.extract_strided_slice %masked_cummax3A_183 {offsets = [15], sizes = [1], strides = [1]} : vector<16xf32> to vector<1xf32>
      %squeeze3A_185 = vector.extract %slice3A_184[0] : f32 from vector<1xf32>
      %eq3A_186 = vector.broadcast %squeeze3A_185 : f32 to vector<16xf32>
      %eq3A_187 = arith.cmpf oeq, %scan3A_179#0, %eq3A_186 : vector<16xf32>
      %mul3A_188 = arith.constant 16 : i32
      %mul3A_189 = vector.broadcast %mul3A_188 : i32 to vector<16xi32>
      %mul3A_190 = arith.muli %scan3A_179#1, %mul3A_189 : vector<16xi32>
      %add3A_191 = arith.addi %mul3A_190, %iota3A : vector<16xi32>
      %jit3A_192 = arith.constant 512 : i32
      %broadcast_in_dim3A_193 = vector.broadcast %jit3A_192 : i32 to vector<16xi32>
      %select_n3A_194 = arith.select %eq3A_187, %add3A_191, %broadcast_in_dim3A_193 : vector<16xi1>, vector<16xi32>
      %neg3A_195 = arith.constant 0 : i32
      %neg3A_196 = vector.broadcast %neg3A_195 : i32 to vector<16xi32>
      %neg3A_197 = arith.subi %neg3A_196, %select_n3A_194 : vector<16xi32>
      %broadcast_in_dim3A_198 = arith.constant true
      %broadcast_in_dim3A_199 = vector.broadcast %broadcast_in_dim3A_198 : i1 to vector<16xi1>
      %masked_cummax3A_200 = arith.constant -2147483648 : i32
      %masked_cummax3A_201 = vector.broadcast %masked_cummax3A_200 : i32 to vector<16xi32>
      %masked_cummax3A_202 = arith.xori %neg3A_197, %masked_cummax3A_201 : vector<16xi32>
      %masked_cummax3A_203 = tpu.scan <max>, %masked_cummax3A_202 masked %broadcast_in_dim3A_199 : vector<16xi32>, vector<16xi1> -> vector<16xi32>
      %masked_cummax3A_204 = arith.xori %masked_cummax3A_203, %masked_cummax3A_201 : vector<16xi32>
      %slice3A_205 = vector.extract_strided_slice %masked_cummax3A_204 {offsets = [15], sizes = [1], strides = [1]} : vector<16xi32> to vector<1xi32>
      %squeeze3A_206 = vector.extract %slice3A_205[0] : i32 from vector<1xi32>
      %neg3A_207 = arith.constant 0 : i32
      %neg3A_208 = arith.subi %neg3A_207, %squeeze3A_206 : i32
      %add3A_209 = arith.addi %mul3A_16, %neg3A_208 : i32
      %broadcast_in_dim3A_210 = vector.broadcast %add3A_209 : i32 to vector<16xi32>
      tpu.vector_store_idx %arg4[%broadcast_in_dim3A_210], %broadcast_in_dim3A_7 masked %eq3A_6 : memref<16384xf32, #tpu.memory_space<vmem>>[vector<16xi32>], vector<16xf32>, vector<16xi1>
      %mul3A_211 = arith.constant 512 : i32
      %mul3A_212 = arith.muli %neg3A_48, %mul3A_211 : i32
      %add3A_213 = arith.addi %mul3A_212, %neg3A_88 : i32
      %mul3A_214 = arith.constant 512 : i32
      %mul3A_215 = arith.muli %add3A_213, %mul3A_214 : i32
      %add3A_216 = arith.addi %mul3A_215, %neg3A_128 : i32
      %mul3A_217 = arith.constant 512 : i32
      %mul3A_218 = arith.muli %neg3A_168, %mul3A_217 : i32
      %add3A_219 = arith.addi %mul3A_218, %neg3A_208 : i32
      %broadcast_in_dim3A_220 = vector.broadcast %scan3A_14 : i32 to vector<16xi32>
      %broadcast_in_dim3A_221 = vector.broadcast %add3A_216 : i32 to vector<16xi32>
      tpu.vector_store_idx %arg5[%broadcast_in_dim3A_220], %broadcast_in_dim3A_221 masked %eq3A_6 : memref<32xi32, #tpu.memory_space<vmem>>[vector<16xi32>], vector<16xi32>, vector<16xi1>
      %broadcast_in_dim3A_222 = vector.broadcast %scan3A_14 : i32 to vector<16xi32>
      %broadcast_in_dim3A_223 = vector.broadcast %add3A_219 : i32 to vector<16xi32>
      tpu.vector_store_idx %arg6[%broadcast_in_dim3A_222], %broadcast_in_dim3A_223 masked %eq3A_6 : memref<32xi32, #tpu.memory_space<vmem>>[vector<16xi32>], vector<16xi32>, vector<16xi1>
    }
    %scan3A_12 = arith.constant 32 : i32
    %run_scoped3A = arith.constant 0 : i32
    "tpu.region"() ({
      %run_scoped3A_14 = tpu.sem_alloc : memref<!tpu.dma_semaphore, #tpu.memory_space<semaphore_mem>>
      %dma_start3A = tpu.memref_slice %arg3[%run_scoped3A, %mul3A_2] : memref<8x1024xi32, #tpu.memory_space<hbm>> -> memref<1x32xi32, #tpu.memory_space<hbm>>
      %dma_start3A_15 = tpu.memref_squeeze %dma_start3A : memref<1x32xi32, #tpu.memory_space<hbm>> -> memref<32xi32, #tpu.memory_space<hbm>>
      %dma_start3A_16 = tpu.memref_slice %arg3[%run_scoped3A, %mul3A_2] : memref<8x1024xi32, #tpu.memory_space<hbm>> -> memref<1x32xi32, #tpu.memory_space<hbm>>
      %dma_start3A_17 = tpu.memref_squeeze %dma_start3A_16 : memref<1x32xi32, #tpu.memory_space<hbm>> -> memref<32xi32, #tpu.memory_space<hbm>>
      tpu.enqueue_dma source(%arg5 : memref<32xi32, #tpu.memory_space<vmem>>) target(%dma_start3A_17 : memref<32xi32, #tpu.memory_space<hbm>>) target_semaphore(%run_scoped3A_14 : memref<!tpu.dma_semaphore, #tpu.memory_space<semaphore_mem>>)
      %dma_wait3A = tpu.memref_slice %arg3[%run_scoped3A, %mul3A_2] : memref<8x1024xi32, #tpu.memory_space<hbm>> -> memref<1x32xi32, #tpu.memory_space<hbm>>
      %dma_wait3A_18 = tpu.memref_squeeze %dma_wait3A : memref<1x32xi32, #tpu.memory_space<hbm>> -> memref<32xi32, #tpu.memory_space<hbm>>
      %dma_wait3A_19 = tpu.memref_slice %arg3[%run_scoped3A, %mul3A_2] : memref<8x1024xi32, #tpu.memory_space<hbm>> -> memref<1x32xi32, #tpu.memory_space<hbm>>
      %dma_wait3A_20 = tpu.memref_squeeze %dma_wait3A_19 : memref<1x32xi32, #tpu.memory_space<hbm>> -> memref<32xi32, #tpu.memory_space<hbm>>
      tpu.wait_dma2 semaphore(%run_scoped3A_14 : memref<!tpu.dma_semaphore, #tpu.memory_space<semaphore_mem>>) src(%arg5 : memref<32xi32, #tpu.memory_space<vmem>>) dst(%dma_wait3A_20 : memref<32xi32, #tpu.memory_space<hbm>>)
      tpu.yield
    }) : () -> ()
    %run_scoped3A_13 = arith.constant 1 : i32
    "tpu.region"() ({
      %run_scoped3A_14 = tpu.sem_alloc : memref<!tpu.dma_semaphore, #tpu.memory_space<semaphore_mem>>
      %dma_start3A = tpu.memref_slice %arg3[%run_scoped3A_13, %mul3A_2] : memref<8x1024xi32, #tpu.memory_space<hbm>> -> memref<1x32xi32, #tpu.memory_space<hbm>>
      %dma_start3A_15 = tpu.memref_squeeze %dma_start3A : memref<1x32xi32, #tpu.memory_space<hbm>> -> memref<32xi32, #tpu.memory_space<hbm>>
      %dma_start3A_16 = tpu.memref_slice %arg3[%run_scoped3A_13, %mul3A_2] : memref<8x1024xi32, #tpu.memory_space<hbm>> -> memref<1x32xi32, #tpu.memory_space<hbm>>
      %dma_start3A_17 = tpu.memref_squeeze %dma_start3A_16 : memref<1x32xi32, #tpu.memory_space<hbm>> -> memref<32xi32, #tpu.memory_space<hbm>>
      tpu.enqueue_dma source(%arg6 : memref<32xi32, #tpu.memory_space<vmem>>) target(%dma_start3A_17 : memref<32xi32, #tpu.memory_space<hbm>>) target_semaphore(%run_scoped3A_14 : memref<!tpu.dma_semaphore, #tpu.memory_space<semaphore_mem>>)
      %dma_wait3A = tpu.memref_slice %arg3[%run_scoped3A_13, %mul3A_2] : memref<8x1024xi32, #tpu.memory_space<hbm>> -> memref<1x32xi32, #tpu.memory_space<hbm>>
      %dma_wait3A_18 = tpu.memref_squeeze %dma_wait3A : memref<1x32xi32, #tpu.memory_space<hbm>> -> memref<32xi32, #tpu.memory_space<hbm>>
      %dma_wait3A_19 = tpu.memref_slice %arg3[%run_scoped3A_13, %mul3A_2] : memref<8x1024xi32, #tpu.memory_space<hbm>> -> memref<1x32xi32, #tpu.memory_space<hbm>>
      %dma_wait3A_20 = tpu.memref_squeeze %dma_wait3A_19 : memref<1x32xi32, #tpu.memory_space<hbm>> -> memref<32xi32, #tpu.memory_space<hbm>>
      tpu.wait_dma2 semaphore(%run_scoped3A_14 : memref<!tpu.dma_semaphore, #tpu.memory_space<semaphore_mem>>) src(%arg6 : memref<32xi32, #tpu.memory_space<vmem>>) dst(%dma_wait3A_20 : memref<32xi32, #tpu.memory_space<hbm>>)
      tpu.yield
    }) : () -> ()
    return
  }
}

module attributes {stable_mosaic.version = 14 : i64} {
  func.func @_tc_body(%arg0: i32, %arg1: memref<1024x1000xf32, #tpu.memory_space<any>>, %arg2: memref<1024x1000xf32, #tpu.memory_space<any>>, %arg3: memref<8x1024xi32, #tpu.memory_space<any>>, %arg4: memref<1x1xf32, #tpu.memory_space<vmem>>, %arg5: memref<1024x1000xf32, #tpu.memory_space<vmem>>, %arg6: memref<1024x1000xf32, #tpu.memory_space<vmem>>, %arg7: memref<8x1024xi32, #tpu.memory_space<vmem>>, %arg8: memref<!tpu.dma_semaphore, #tpu.memory_space<semaphore_mem>>, %arg9: memref<!tpu.dma_semaphore, #tpu.memory_space<semaphore_mem>>, %arg10: memref<!tpu.dma_semaphore, #tpu.memory_space<semaphore_mem>>) attributes {dimension_semantics = [#tpu.dimension_semantics<arbitrary>], iteration_bounds = array<i64: 1>, scalar_prefetch = 0 : i64, scratch_operands = 6 : i64, tpu.core_type = #tpu.core_type<tc>, window_params = [{}, {}, {}, {pipeline_mode = #tpu.pipeline_mode<synchronous>, transform_indices = @transform_3, window_bounds = array<i64: 1, 1>}]} {
    tpu.enqueue_dma source(%arg3 : memref<8x1024xi32, #tpu.memory_space<any>>) target(%arg7 : memref<8x1024xi32, #tpu.memory_space<vmem>>) target_semaphore(%arg8 : memref<!tpu.dma_semaphore, #tpu.memory_space<semaphore_mem>>)
    tpu.enqueue_dma source(%arg1 : memref<1024x1000xf32, #tpu.memory_space<any>>) target(%arg5 : memref<1024x1000xf32, #tpu.memory_space<vmem>>) target_semaphore(%arg9 : memref<!tpu.dma_semaphore, #tpu.memory_space<semaphore_mem>>)
    tpu.enqueue_dma source(%arg2 : memref<1024x1000xf32, #tpu.memory_space<any>>) target(%arg6 : memref<1024x1000xf32, #tpu.memory_space<vmem>>) target_semaphore(%arg10 : memref<!tpu.dma_semaphore, #tpu.memory_space<semaphore_mem>>)
    tpu.wait_dma2 semaphore(%arg8 : memref<!tpu.dma_semaphore, #tpu.memory_space<semaphore_mem>>) src(%arg3 : memref<8x1024xi32, #tpu.memory_space<any>>) dst(%arg7 : memref<8x1024xi32, #tpu.memory_space<vmem>>)
    tpu.wait_dma2 semaphore(%arg9 : memref<!tpu.dma_semaphore, #tpu.memory_space<semaphore_mem>>) src(%arg1 : memref<1024x1000xf32, #tpu.memory_space<any>>) dst(%arg5 : memref<1024x1000xf32, #tpu.memory_space<vmem>>)
    tpu.wait_dma2 semaphore(%arg10 : memref<!tpu.dma_semaphore, #tpu.memory_space<semaphore_mem>>) src(%arg2 : memref<1024x1000xf32, #tpu.memory_space<any>>) dst(%arg6 : memref<1024x1000xf32, #tpu.memory_space<vmem>>)
    %get3A = arith.constant 0 : index
    %get3A_0 = arith.constant 0 : index
    %get3A_1 = vector.load %arg7[%get3A, %get3A_0] : memref<8x1024xi32, #tpu.memory_space<vmem>>, vector<1x1024xi32>
    %get3A_2 = arith.constant 1 : index
    %get3A_3 = arith.constant 0 : index
    %get3A_4 = vector.load %arg7[%get3A_2, %get3A_3] : memref<8x1024xi32, #tpu.memory_space<vmem>>, vector<1x1024xi32>
    %broadcast_in_dim3A = arith.constant 0.000000e+00 : f32
    %broadcast_in_dim3A_5 = vector.broadcast %broadcast_in_dim3A : f32 to vector<1x1xf32>
    %get3A_6 = arith.constant 0 : index
    %get3A_7 = arith.constant 0 : index
    %get3A_8 = vector.load %arg5[%get3A_6, %get3A_7] : memref<1024x1000xf32, #tpu.memory_space<vmem>>, vector<256x1000xf32>
    %get3A_9 = arith.constant 0 : index
    %get3A_10 = arith.constant 0 : index
    %get3A_11 = vector.load %arg6[%get3A_9, %get3A_10] : memref<1024x1000xf32, #tpu.memory_space<vmem>>, vector<1024x1000xf32>
    %dot_general3A = arith.constant dense<0.000000e+00> : vector<256x1024xf32>
    %dot_general3A_12 = tpu.matmul %get3A_8, %get3A_11, %dot_general3A {dimension_numbers = #tpu.dot_dimension_numbers<[1], [1], [0], [0], [0, 0, 1, 0], [], []>, transpose_lhs_hint = false} : vector<256x1000xf32>, vector<1024x1000xf32>, vector<256x1024xf32> -> vector<256x1024xf32>
    %slice3A = vector.extract_strided_slice %get3A_1 {offsets = [0, 0], sizes = [1, 256], strides = [1, 1]} : vector<1x1024xi32> to vector<1x256xi32>
    %reshape3A = vector.shape_cast %slice3A : vector<1x256xi32> to vector<256x1xi32>
    %slice3A_13 = vector.extract_strided_slice %get3A_4 {offsets = [0, 0], sizes = [1, 256], strides = [1, 1]} : vector<1x1024xi32> to vector<1x256xi32>
    %reshape3A_14 = vector.shape_cast %slice3A_13 : vector<1x256xi32> to vector<256x1xi32>
    %eq3A = vector.broadcast %reshape3A : vector<256x1xi32> to vector<256x1024xi32>
    %eq3A_15 = vector.broadcast %get3A_1 : vector<1x1024xi32> to vector<256x1024xi32>
    %eq3A_16 = arith.cmpi eq, %eq3A, %eq3A_15 : vector<256x1024xi32>
    %eq3A_17 = vector.broadcast %reshape3A_14 : vector<256x1xi32> to vector<256x1024xi32>
    %eq3A_18 = vector.broadcast %get3A_4 : vector<1x1024xi32> to vector<256x1024xi32>
    %eq3A_19 = arith.cmpi eq, %eq3A_17, %eq3A_18 : vector<256x1024xi32>
    %and3A = arith.andi %eq3A_16, %eq3A_19 : vector<256x1024xi1>
    %sub3A = arith.constant 1.000000e+00 : f32
    %sub3A_20 = vector.broadcast %sub3A : f32 to vector<256x1024xf32>
    %sub3A_21 = arith.subf %sub3A_20, %dot_general3A_12 : vector<256x1024xf32>
    %select_n3A = arith.select %and3A, %dot_general3A_12, %sub3A_21 : vector<256x1024xi1>, vector<256x1024xf32>
    %log3A = math.log %select_n3A : vector<256x1024xf32>
    %max3A = arith.constant -1.000000e+02 : f32
    %max3A_22 = vector.broadcast %max3A : f32 to vector<256x1024xf32>
    %max3A_23 = arith.maximumf %log3A, %max3A_22 : vector<256x1024xf32>
    %broadcast_in_dim3A_24 = arith.constant -9.53674316E-7 : f32
    %broadcast_in_dim3A_25 = vector.broadcast %broadcast_in_dim3A_24 : f32 to vector<1x1xf32>
    %reduce_sum3A = vector.shape_cast %max3A_23 : vector<256x1024xf32> to vector<1x256x1024xf32>
    %reduce_sum3A_26 = arith.constant dense<0.000000e+00> : vector<1xf32>
    %reduce_sum3A_27 = vector.multi_reduction <add>, %reduce_sum3A, %reduce_sum3A_26 [1, 2] : vector<1x256x1024xf32> to vector<1xf32>
    %reduce_sum3A_28 = vector.shape_cast %reduce_sum3A_27 : vector<1xf32> to vector<1x1x1xf32>
    %reduce_sum3A_29 = vector.extract %reduce_sum3A_28[0, 0, 0] : f32 from vector<1x1x1xf32>
    %mul3A = vector.broadcast %reduce_sum3A_29 : f32 to vector<1x1xf32>
    %mul3A_30 = arith.mulf %broadcast_in_dim3A_25, %mul3A : vector<1x1xf32>
    %add3A = arith.addf %broadcast_in_dim3A_5, %mul3A_30 : vector<1x1xf32>
    %get3A_31 = arith.constant 256 : index
    %get3A_32 = arith.constant 0 : index
    %get3A_33 = vector.load %arg5[%get3A_31, %get3A_32] : memref<1024x1000xf32, #tpu.memory_space<vmem>>, vector<256x1000xf32>
    %get3A_34 = arith.constant 0 : index
    %get3A_35 = arith.constant 0 : index
    %get3A_36 = vector.load %arg6[%get3A_34, %get3A_35] : memref<1024x1000xf32, #tpu.memory_space<vmem>>, vector<1024x1000xf32>
    %dot_general3A_37 = arith.constant dense<0.000000e+00> : vector<256x1024xf32>
    %dot_general3A_38 = tpu.matmul %get3A_33, %get3A_36, %dot_general3A_37 {dimension_numbers = #tpu.dot_dimension_numbers<[1], [1], [0], [0], [0, 0, 1, 0], [], []>, transpose_lhs_hint = false} : vector<256x1000xf32>, vector<1024x1000xf32>, vector<256x1024xf32> -> vector<256x1024xf32>
    %slice3A_39 = vector.extract_strided_slice %get3A_1 {offsets = [0, 256], sizes = [1, 256], strides = [1, 1]} : vector<1x1024xi32> to vector<1x256xi32>
    %reshape3A_40 = vector.shape_cast %slice3A_39 : vector<1x256xi32> to vector<256x1xi32>
    %slice3A_41 = vector.extract_strided_slice %get3A_4 {offsets = [0, 256], sizes = [1, 256], strides = [1, 1]} : vector<1x1024xi32> to vector<1x256xi32>
    %reshape3A_42 = vector.shape_cast %slice3A_41 : vector<1x256xi32> to vector<256x1xi32>
    %eq3A_43 = vector.broadcast %reshape3A_40 : vector<256x1xi32> to vector<256x1024xi32>
    %eq3A_44 = vector.broadcast %get3A_1 : vector<1x1024xi32> to vector<256x1024xi32>
    %eq3A_45 = arith.cmpi eq, %eq3A_43, %eq3A_44 : vector<256x1024xi32>
    %eq3A_46 = vector.broadcast %reshape3A_42 : vector<256x1xi32> to vector<256x1024xi32>
    %eq3A_47 = vector.broadcast %get3A_4 : vector<1x1024xi32> to vector<256x1024xi32>
    %eq3A_48 = arith.cmpi eq, %eq3A_46, %eq3A_47 : vector<256x1024xi32>
    %and3A_49 = arith.andi %eq3A_45, %eq3A_48 : vector<256x1024xi1>
    %sub3A_50 = arith.constant 1.000000e+00 : f32
    %sub3A_51 = vector.broadcast %sub3A_50 : f32 to vector<256x1024xf32>
    %sub3A_52 = arith.subf %sub3A_51, %dot_general3A_38 : vector<256x1024xf32>
    %select_n3A_53 = arith.select %and3A_49, %dot_general3A_38, %sub3A_52 : vector<256x1024xi1>, vector<256x1024xf32>
    %log3A_54 = math.log %select_n3A_53 : vector<256x1024xf32>
    %max3A_55 = arith.constant -1.000000e+02 : f32
    %max3A_56 = vector.broadcast %max3A_55 : f32 to vector<256x1024xf32>
    %max3A_57 = arith.maximumf %log3A_54, %max3A_56 : vector<256x1024xf32>
    %broadcast_in_dim3A_58 = arith.constant -9.53674316E-7 : f32
    %broadcast_in_dim3A_59 = vector.broadcast %broadcast_in_dim3A_58 : f32 to vector<1x1xf32>
    %reduce_sum3A_60 = vector.shape_cast %max3A_57 : vector<256x1024xf32> to vector<1x256x1024xf32>
    %reduce_sum3A_61 = arith.constant dense<0.000000e+00> : vector<1xf32>
    %reduce_sum3A_62 = vector.multi_reduction <add>, %reduce_sum3A_60, %reduce_sum3A_61 [1, 2] : vector<1x256x1024xf32> to vector<1xf32>
    %reduce_sum3A_63 = vector.shape_cast %reduce_sum3A_62 : vector<1xf32> to vector<1x1x1xf32>
    %reduce_sum3A_64 = vector.extract %reduce_sum3A_63[0, 0, 0] : f32 from vector<1x1x1xf32>
    %mul3A_65 = vector.broadcast %reduce_sum3A_64 : f32 to vector<1x1xf32>
    %mul3A_66 = arith.mulf %broadcast_in_dim3A_59, %mul3A_65 : vector<1x1xf32>
    %add3A_67 = arith.addf %add3A, %mul3A_66 : vector<1x1xf32>
    %get3A_68 = arith.constant 512 : index
    %get3A_69 = arith.constant 0 : index
    %get3A_70 = vector.load %arg5[%get3A_68, %get3A_69] : memref<1024x1000xf32, #tpu.memory_space<vmem>>, vector<256x1000xf32>
    %get3A_71 = arith.constant 0 : index
    %get3A_72 = arith.constant 0 : index
    %get3A_73 = vector.load %arg6[%get3A_71, %get3A_72] : memref<1024x1000xf32, #tpu.memory_space<vmem>>, vector<1024x1000xf32>
    %dot_general3A_74 = arith.constant dense<0.000000e+00> : vector<256x1024xf32>
    %dot_general3A_75 = tpu.matmul %get3A_70, %get3A_73, %dot_general3A_74 {dimension_numbers = #tpu.dot_dimension_numbers<[1], [1], [0], [0], [0, 0, 1, 0], [], []>, transpose_lhs_hint = false} : vector<256x1000xf32>, vector<1024x1000xf32>, vector<256x1024xf32> -> vector<256x1024xf32>
    %slice3A_76 = vector.extract_strided_slice %get3A_1 {offsets = [0, 512], sizes = [1, 256], strides = [1, 1]} : vector<1x1024xi32> to vector<1x256xi32>
    %reshape3A_77 = vector.shape_cast %slice3A_76 : vector<1x256xi32> to vector<256x1xi32>
    %slice3A_78 = vector.extract_strided_slice %get3A_4 {offsets = [0, 512], sizes = [1, 256], strides = [1, 1]} : vector<1x1024xi32> to vector<1x256xi32>
    %reshape3A_79 = vector.shape_cast %slice3A_78 : vector<1x256xi32> to vector<256x1xi32>
    %eq3A_80 = vector.broadcast %reshape3A_77 : vector<256x1xi32> to vector<256x1024xi32>
    %eq3A_81 = vector.broadcast %get3A_1 : vector<1x1024xi32> to vector<256x1024xi32>
    %eq3A_82 = arith.cmpi eq, %eq3A_80, %eq3A_81 : vector<256x1024xi32>
    %eq3A_83 = vector.broadcast %reshape3A_79 : vector<256x1xi32> to vector<256x1024xi32>
    %eq3A_84 = vector.broadcast %get3A_4 : vector<1x1024xi32> to vector<256x1024xi32>
    %eq3A_85 = arith.cmpi eq, %eq3A_83, %eq3A_84 : vector<256x1024xi32>
    %and3A_86 = arith.andi %eq3A_82, %eq3A_85 : vector<256x1024xi1>
    %sub3A_87 = arith.constant 1.000000e+00 : f32
    %sub3A_88 = vector.broadcast %sub3A_87 : f32 to vector<256x1024xf32>
    %sub3A_89 = arith.subf %sub3A_88, %dot_general3A_75 : vector<256x1024xf32>
    %select_n3A_90 = arith.select %and3A_86, %dot_general3A_75, %sub3A_89 : vector<256x1024xi1>, vector<256x1024xf32>
    %log3A_91 = math.log %select_n3A_90 : vector<256x1024xf32>
    %max3A_92 = arith.constant -1.000000e+02 : f32
    %max3A_93 = vector.broadcast %max3A_92 : f32 to vector<256x1024xf32>
    %max3A_94 = arith.maximumf %log3A_91, %max3A_93 : vector<256x1024xf32>
    %broadcast_in_dim3A_95 = arith.constant -9.53674316E-7 : f32
    %broadcast_in_dim3A_96 = vector.broadcast %broadcast_in_dim3A_95 : f32 to vector<1x1xf32>
    %reduce_sum3A_97 = vector.shape_cast %max3A_94 : vector<256x1024xf32> to vector<1x256x1024xf32>
    %reduce_sum3A_98 = arith.constant dense<0.000000e+00> : vector<1xf32>
    %reduce_sum3A_99 = vector.multi_reduction <add>, %reduce_sum3A_97, %reduce_sum3A_98 [1, 2] : vector<1x256x1024xf32> to vector<1xf32>
    %reduce_sum3A_100 = vector.shape_cast %reduce_sum3A_99 : vector<1xf32> to vector<1x1x1xf32>
    %reduce_sum3A_101 = vector.extract %reduce_sum3A_100[0, 0, 0] : f32 from vector<1x1x1xf32>
    %mul3A_102 = vector.broadcast %reduce_sum3A_101 : f32 to vector<1x1xf32>
    %mul3A_103 = arith.mulf %broadcast_in_dim3A_96, %mul3A_102 : vector<1x1xf32>
    %add3A_104 = arith.addf %add3A_67, %mul3A_103 : vector<1x1xf32>
    %get3A_105 = arith.constant 768 : index
    %get3A_106 = arith.constant 0 : index
    %get3A_107 = vector.load %arg5[%get3A_105, %get3A_106] : memref<1024x1000xf32, #tpu.memory_space<vmem>>, vector<256x1000xf32>
    %get3A_108 = arith.constant 0 : index
    %get3A_109 = arith.constant 0 : index
    %get3A_110 = vector.load %arg6[%get3A_108, %get3A_109] : memref<1024x1000xf32, #tpu.memory_space<vmem>>, vector<1024x1000xf32>
    %dot_general3A_111 = arith.constant dense<0.000000e+00> : vector<256x1024xf32>
    %dot_general3A_112 = tpu.matmul %get3A_107, %get3A_110, %dot_general3A_111 {dimension_numbers = #tpu.dot_dimension_numbers<[1], [1], [0], [0], [0, 0, 1, 0], [], []>, transpose_lhs_hint = false} : vector<256x1000xf32>, vector<1024x1000xf32>, vector<256x1024xf32> -> vector<256x1024xf32>
    %slice3A_113 = vector.extract_strided_slice %get3A_1 {offsets = [0, 768], sizes = [1, 256], strides = [1, 1]} : vector<1x1024xi32> to vector<1x256xi32>
    %reshape3A_114 = vector.shape_cast %slice3A_113 : vector<1x256xi32> to vector<256x1xi32>
    %slice3A_115 = vector.extract_strided_slice %get3A_4 {offsets = [0, 768], sizes = [1, 256], strides = [1, 1]} : vector<1x1024xi32> to vector<1x256xi32>
    %reshape3A_116 = vector.shape_cast %slice3A_115 : vector<1x256xi32> to vector<256x1xi32>
    %eq3A_117 = vector.broadcast %reshape3A_114 : vector<256x1xi32> to vector<256x1024xi32>
    %eq3A_118 = vector.broadcast %get3A_1 : vector<1x1024xi32> to vector<256x1024xi32>
    %eq3A_119 = arith.cmpi eq, %eq3A_117, %eq3A_118 : vector<256x1024xi32>
    %eq3A_120 = vector.broadcast %reshape3A_116 : vector<256x1xi32> to vector<256x1024xi32>
    %eq3A_121 = vector.broadcast %get3A_4 : vector<1x1024xi32> to vector<256x1024xi32>
    %eq3A_122 = arith.cmpi eq, %eq3A_120, %eq3A_121 : vector<256x1024xi32>
    %and3A_123 = arith.andi %eq3A_119, %eq3A_122 : vector<256x1024xi1>
    %sub3A_124 = arith.constant 1.000000e+00 : f32
    %sub3A_125 = vector.broadcast %sub3A_124 : f32 to vector<256x1024xf32>
    %sub3A_126 = arith.subf %sub3A_125, %dot_general3A_112 : vector<256x1024xf32>
    %select_n3A_127 = arith.select %and3A_123, %dot_general3A_112, %sub3A_126 : vector<256x1024xi1>, vector<256x1024xf32>
    %log3A_128 = math.log %select_n3A_127 : vector<256x1024xf32>
    %max3A_129 = arith.constant -1.000000e+02 : f32
    %max3A_130 = vector.broadcast %max3A_129 : f32 to vector<256x1024xf32>
    %max3A_131 = arith.maximumf %log3A_128, %max3A_130 : vector<256x1024xf32>
    %broadcast_in_dim3A_132 = arith.constant -9.53674316E-7 : f32
    %broadcast_in_dim3A_133 = vector.broadcast %broadcast_in_dim3A_132 : f32 to vector<1x1xf32>
    %reduce_sum3A_134 = vector.shape_cast %max3A_131 : vector<256x1024xf32> to vector<1x256x1024xf32>
    %reduce_sum3A_135 = arith.constant dense<0.000000e+00> : vector<1xf32>
    %reduce_sum3A_136 = vector.multi_reduction <add>, %reduce_sum3A_134, %reduce_sum3A_135 [1, 2] : vector<1x256x1024xf32> to vector<1xf32>
    %reduce_sum3A_137 = vector.shape_cast %reduce_sum3A_136 : vector<1xf32> to vector<1x1x1xf32>
    %reduce_sum3A_138 = vector.extract %reduce_sum3A_137[0, 0, 0] : f32 from vector<1x1x1xf32>
    %mul3A_139 = vector.broadcast %reduce_sum3A_138 : f32 to vector<1x1xf32>
    %mul3A_140 = arith.mulf %broadcast_in_dim3A_133, %mul3A_139 : vector<1x1xf32>
    %add3A_141 = arith.addf %add3A_104, %mul3A_140 : vector<1x1xf32>
    %swap3A = arith.constant 0 : index
    %swap3A_142 = arith.constant 0 : index
    %swap3A_143 = vector.load %arg4[%swap3A, %swap3A_142] : memref<1x1xf32, #tpu.memory_space<vmem>>, vector<1x1xf32>
    tpu.vector_store %arg4[%swap3A, %swap3A_142], %add3A_141 {strides = array<i32>} : memref<1x1xf32, #tpu.memory_space<vmem>>, vector<1x1xf32>,
    return
  }
  func.func @transform_3(%arg0: i32) -> (i32, i32) {
    %c0_i32 = arith.constant 0 : i32
    %c0_i32_0 = arith.constant 0 : i32
    %c0_i32_1 = arith.constant 0 : i32
    return %c0_i32, %c0_i32_0 : i32, i32
  }
}

</mosaic_0001>

<sc_bundles>
// kernel: kernel.4.cloned.1.call-start
scs
__scs_entry_jumppad:
0x0: {  	(pc) =	sbr.rel $0x88, $3  }
0x1: {  	(tag) =	ssettag $0x0;
	lr =	simm.s32 $0x1  }
0x2: {  	[smem:$0x3F9E] =	sst lr;
	_ =	strace $0xD0000000  }
0x3: {  	_ = 	snop  }
0x4: {  	_ = 	snop  }
0x5: {  	_ = 	snop  }
0x6: {  	_ = 	snop  }
0x7: {  	_ = 	snop  }
__scs_overlays_trampoline_lowered:
0x8: {  	[smem:$0x3FAD] =	sst s0  }
0x9: {  	[smem:$0x3FAE] =	sst s1  }
0xa: {  	[smem:$0x3FAF] =	sst s2  }
0xb: {  	[smem:$0x3FB0] =	sst s3  }
0xc: {  	[smem:$0x3FB1] =	sst s4  }
0xd: {  	[smem:$0x3FB2] =	sst s5  }
0xe: {  	[smem:$0x3FB3] =	sst s6  }
0xf: {  	[smem:$0x3FB4] =	sst s7  }
0x10: {  	[smem:$0x3FB5] =	sst s8  }
0x11: {  	[smem:$0x3FB6] =	sst s9;
	s0 =	simm.s32 @!p0 $0x0  }
0x12: {  	s1 =	sld [smem:$0x3F9C];
	s0 =	simm.s32 @p0 $0x1  }
0x13: {  	[smem:$0x3FB7] =	sst s0;
	s0 =	simm.s32 @!p1 $0x0  }
0x14: {  	s2 =	sld [smem:$0x3F9B];
	s0 =	simm.s32 @p1 $0x1  }
0x15: {  	[smem:$0x3FB8] =	sst s0;
	s0 =	simm.s32 @!p2 $0x0  }
0x16: {  	s3 =	sld [smem:$0x3FDB];
	s0 =	simm.s32 @p2 $0x1  }
0x17: {  	s4 =	simm.s32 $0x1BF5;
	[smem:$0x3FBA] =	sst s0  }
0x18: {  	s0 =	sld [smem:$0x3F9D];
	_ =	swait.ge [sflag:s4], $0x0  }
0x19: {  	s7 =	sld [smem:$0x3F9E]  }
0x1a: {  	s8 =	sadd.s32 $0xFFFFE003, lr  }
0x1b: {  	s9 =	sadd.s32 $0xFFFFFEF7, lr;
	s5 =	simm.s32 $0xFFFFFFFF;
	p2 =	slt.u32 s8, $0xFFFFF086  }
0x1c: {  	p1 =	slt.u32 s9, $0xF7A;
	s5 =	simm.s32 @!p2 $0x0  }
0x1d: {  	s5 =	simm.s32 @p1 $0x1;
	p0 =	seq.s32 s7, s2  }
0x1e: {  	s7 =	smul.u32 @!p0 $0xF7A, s2;
	p2 =	seq.s32 @!p0 s5, $0x0  }
0x1f: {  	s9 =	smul.u32 $0xF7A, s1;
	s8 =	simm.s32 @!p0 $0x1BF5;
	p2 =	por !p2, p0  }
0x20: {  	[sflag:s8] =	ssyncset.s32 @!p0 $0xFFFFF086;
	s6 =	sadd.s32 @!p0 s3, s7;
	s7 =	simm.s32 @!p0 $0x108  }
0x21: {  	s3 =	sadd.s32 s3, s9;
	s6 =	sadd.s32 @!p0 $0x88, s6;
	s7 =	simm.s32 @p2 $0x1082  }
0x22: {  	[simem:s7], [sflag:s8] =	dma.local @!p0 [hbm:s6], $0xF7A  }
0x23: {  	s9 =	sor.u32 $0xD0000000, s2;
	s6 =	simm.s32 $0x108;
	_ =	swait.ge @!p0 [sflag:s8], $0x0  }
0x24: {  	s3 =	sadd.s32 $0x88, s3;
	s6 =	simm.s32 @!p1 $0x1082;
	[sflag:s4] =	ssyncset.s32 $0xFFFFF086  }
0x25: {  	[simem:s6], [sflag:s4] =	dma.local [hbm:s3], $0xF7A  }
0x26: {  	[smem:$0x3F9E] =	sst s1;
	(tag) =	ssettag s2;
	_ =	strace s9  }
0x27: {  	s1 =	sld [smem:$0x3FAE]  }
0x28: {  	s2 =	sld [smem:$0x3FAF]  }
0x29: {  	s4 =	sld [smem:$0x3FB1]  }
0x2a: {  	p0 =	seq.s32 s5, $0x0;
	s5 =	sld [smem:$0x3FB2]  }
0x2b: {  	s6 =	sld [smem:$0x3FB3]  }
0x2c: {  	s7 =	sld [smem:$0x3FB4]  }
0x2d: {  	s3 =	simm.s32 $0x108;
	s8 =	sld [smem:$0x3FB5]  }
0x2e: {  	s3 =	simm.s32 @!p0 $0x1082;
	s9 =	sld [smem:$0x3FB6]  }
0x2f: {  	lr =	sadd.s32 s0, s3;
	s0 =	sld [smem:$0x3FAD]  }
0x30: {  	s3 =	sld [smem:$0x3FB0]  }
0x31: {  	[smem:$0x3FB9] =	sst s10  }
0x32: {  	s10 =	sld [smem:$0x3FB7];
	_ =	sdelay $0x3  }
0x33: {  	p0 =	seq.s32 s10, $0x1;
	s10 =	sld [smem:$0x3FB9];
	_ =	sdelay $0x3  }
0x34: {  	[smem:$0x3FB9] =	sst s10  }
0x35: {  	s10 =	sld [smem:$0x3FB8];
	_ =	sdelay $0x3  }
0x36: {  	p1 =	seq.s32 s10, $0x1;
	s10 =	sld [smem:$0x3FB9];
	_ =	sdelay $0x3  }
0x37: {  	[smem:$0x3FB9] =	sst s10  }
0x38: {  	s10 =	sld [smem:$0x3FBA]  }
0x39: {  	_ = 	snop;
	(pc) =	sbr.ind lr, $3  }
0x3a: {  	_ = 	snop  }
0x3b: {  	_ = 	snop  }
0x3c: {  	p2 =	seq.s32 s10, $0x1;
	s10 =	sld [smem:$0x3FB9]  }
0x3d: {  	_ =	shalt  }
0x3e: {  	_ =	shalt  }
0x3f: {  	_ =	shalt  }
0x40: {  	_ =	shalt  }
0x41: {  	_ =	shalt  }
0x42: {  	_ =	shalt  }
0x43: {  	_ =	shalt  }
0x44: {  	_ =	shalt  }
0x45: {  	_ =	shalt  }
0x46: {  	_ =	shalt  }
0x47: {  	_ =	shalt  }
0x48: {  	_ =	shalt  }
0x49: {  	_ =	shalt  }
0x4a: {  	_ =	shalt  }
0x4b: {  	_ =	shalt  }
0x4c: {  	_ =	shalt  }
0x4d: {  	_ =	shalt  }
0x4e: {  	_ =	shalt  }
0x4f: {  	_ =	shalt  }
0x50: {  	_ =	shalt  }
0x51: {  	_ =	shalt  }
0x52: {  	_ =	shalt  }
0x53: {  	_ =	shalt  }
0x54: {  	_ =	shalt  }
0x55: {  	_ =	shalt  }
0x56: {  	_ =	shalt  }
0x57: {  	_ =	shalt  }
0x58: {  	_ =	shalt  }
0x59: {  	_ =	shalt  }
0x5a: {  	_ =	shalt  }
0x5b: {  	_ =	shalt  }
0x5c: {  	_ =	shalt  }
0x5d: {  	_ =	shalt  }
0x5e: {  	_ =	shalt  }
0x5f: {  	_ =	shalt  }
0x60: {  	_ =	shalt  }
0x61: {  	_ =	shalt  }
0x62: {  	_ =	shalt  }
0x63: {  	_ =	shalt  }
0x64: {  	_ =	shalt  }
0x65: {  	_ =	shalt  }
0x66: {  	_ =	shalt  }
0x67: {  	_ =	shalt  }
0x68: {  	_ =	shalt  }
0x69: {  	_ =	shalt  }
0x6a: {  	_ =	shalt  }
0x6b: {  	_ =	shalt  }
0x6c: {  	_ =	shalt  }
0x6d: {  	_ =	shalt  }
0x6e: {  	_ =	shalt  }
0x6f: {  	_ =	shalt  }
0x70: {  	_ =	shalt  }
0x71: {  	_ =	shalt  }
0x72: {  	_ =	shalt  }
0x73: {  	_ =	shalt  }
0x74: {  	_ =	shalt  }
0x75: {  	_ =	shalt  }
0x76: {  	_ =	shalt  }
0x77: {  	_ =	shalt  }
0x78: {  	_ =	shalt  }
0x79: {  	_ =	shalt  }
0x7a: {  	_ =	shalt  }
0x7b: {  	_ =	shalt  }
0x7c: {  	_ =	shalt  }
0x7d: {  	_ =	shalt  }
0x7e: {  	_ =	shalt  }
0x7f: {  	_ =	shalt  }
0x80: {  	_ =	shalt  }
0x81: {  	_ =	shalt  }
0x82: {  	_ =	shalt  }
0x83: {  	_ =	shalt  }
0x84: {  	_ =	shalt  }
0x85: {  	_ =	shalt  }
0x86: {  	_ =	shalt  }
0x87: {  	_ =	shalt  }
.Lfunc_end0:
.L_simem_size_0:
called_computation_lowered:
.L_overlay_start_0:
0x88: {  	s2 =	sld [smem:$0x3FD9]  }
0x89: {  	s3 =	sld [smem:$0x3FFE];
	_ =	sdelay $0x1  }
0x8a: {  	s1 =	srdreg.scid  }
0x8b: {  	s0 =	sand.u32 $0x1, s1  }
0x8c: {  	s16 =	sshll.u32 s0, $0xA;
	s2 =	sadd.s32 s3, s2  }
0x8d: {  	s2 =	sadd.s32 s2, s16  }
0x8e: {  	[smem:$0x3FC5] =	sst s2  }
0x8f: {  	_ = 	snop  }
0x90: {  	(tm) =	ssettm $0x1  }
0x91: {  	s17 =	sld [smem:$0x3FFB];
	_ =	sdelay $0x3  }
0x92: {  	_ =	strace s17  }
0x93: {  	s2 =	sld [smem:$0x3FFC];
	_ =	sdelay $0x3  }
0x94: {  	_ =	strace s2  }
0x95: {  	s2 =	sld [smem:$0x3FFD];
	_ =	sdelay $0x3  }
0x96: {  	_ =	strace s2  }
0x97: {  	_ =	strace $0x8FFFFFFF  }
0x98: {  	s18 =	sld [smem:$0x3FDB];
	_ =	sdelay $0x1  }
0x99: {  	s19 =	simm.s32 $_scs_section_size  }
0x9a: {  	s4 =	simm.s32 $_size__tile_overlayer_lowered;
	s5 =	simm.s32 $_tile_overlayer_lowered  }
0x9b: {  	s22 =	simm.s32 $0x1BFF;
	s21 =	sshll.u32 s5, $0x1;
	s2 =	sadd.s32 s19, s18  }
0x9c: {  	s6 =	simm.s32 $0x0;
	s20 =	sshll.u32 s4, $0x1;
	s4 =	sadd.s32 s21, s2  }
0x9d: {  	[timem:s6], [sflag:s22] =	dma.local [hbm:s4], s20  }
0x9e: {  	_ =	swait.ge [sflag:s22], s20  }
0x9f: {  	s3 =	ssub.s32 $0x0, s20;
	[sflag:s22] =	ssyncset.done $0x0  }
0xa0: {  	[sflag:s22] =	ssyncadd.s32 s3;
	_ =	sdelay $0x1  }
0xa1: {  	s23 =	simm.s32 $0x1B8B  }
0xa2: {  	_ =	swait.ge [sflag:s23], $0x1  }
0xa3: {  	[sflag:s23] =	ssyncset.done $0x0  }
0xa4: {  	s25 =	simm.s32 $0x1B8E;
	s24 =	sld [smem:$0x3FFE];
	[sflag:s23] =	ssyncadd.s32 $0xFFFFFFFF  }
0xa5: {  	s26 =	simm.s32 $execute0_lowered;
	[smem:$0x3FD2] =	sst s25  }
0xa6: {  	s4 =	sshll.u32 s26, $0x1;
	_ =	strace $0x80000046;
	[dreg:$0x1] =	wrdreg $0xFFFFFFFF  }
0xa7: {  	s28 =	simm.s32 $_size_execute0_lowered;
	s2 =	sadd.s32 s2, s4;
	[dreg:$0x0] =	wrdreg $0x0  }
0xa8: {  	s4 =	sshll.u32 s28, $0x1;
	[dreg:$0x2] =	wrdreg s2  }
0xa9: {  	[dreg:$0x3] =	wrdreg s4  }
0xaa: {  	[dreg:$0x4] =	wrdreg $0xC0  }
0xab: {  	_ =	task [dreg:s6], $0x5FFFF  }
0xac: {  	[dreg:$0x1] =	wrdreg $0xFFFFFFFF  }
0xad: {  	[dreg:$0x0] =	wrdreg $0x60  }
0xae: {  	[dreg:$0x2] =	wrdreg s24  }
0xaf: {  	[dreg:$0x3] =	wrdreg $0x9  }
0xb0: {  	_ =	task.clear_ibuf [dreg:s6], $0x4FFFF;
	_ =	strace $0x90000046  }
0xb1: {  	s29 =	simm.s32 $0x9;
	_ =	strace $0x80000048  }
0xb2: {  	_ =	swait.ge [sflag:s29], $0x1  }
0xb3: {  	[sflag:s29] =	ssyncadd.s32 $0xFFFFFFFF  }
0xb4: {  	_ =	strace $0x90000048  }
0xb5: {  	_ =	sfence  }
0xb6: {  	s30 =	sld [smem:$0x0];
	_ =	sdelay $0x2  }
0xb7: {  	s31 =	sshll.u32 s1, $0xD;
	s1 =	sshrl.u32 s1, $0x2  }
0xb8: {  	s3 =	sand.u32 $0x4000, s31;
	s1 =	sadd.s32 s1, s30  }
0xb9: {  	s0 =	sor.u32 s3, s0;
	s1 =	sshll.u32 s1, $0x11  }
0xba: {  	s0 =	sor.u32 s1, s0  }
0xbb: {  	s0 =	sadd.s32 $0x8F2B, s0  }
0xbc: {  	[sflag:s0] =	ssyncadd.remote.s32 $0x1  }
0xbd: {  	_ =	sfence.sel $0xFFFF  }
0xbe: {  	[dreg:$0x0] =	wrdreg $0xFFFFFFFF;
	(pc) =	sbr.abs _section_cstart, $3  }
0xbf: {  	[dreg:$0x1] =	wrdreg $0xFFFFFFFF  }
0xc0: {  	_ =	task.clear_ibuf [dreg:s6], $0x2FFFF;
	_ =	strace $0x9FFFFFFF  }
0xc1: {  	(tm) =	ssettm $0x7FFFFFFF  }
tec
execute0_lowered:
.L_overlay_start_1:
0x0: {  	(tag) =	ssettag $0x1  }
0x1: {  	s1 =	srdreg.scid  }
0x2: {  	s0 =	stileid.u32;
	s3 =	rddreg [dreg:$0x0];
	s2 =	simm.s32 $0x0  }
0x3: {  	s8 =	simm.s32 $0x4000;
	s9 =	simm.s32 $0x4080;
	s10 =	simm.s32 $0x0  }
0x4: {  	s4 =	sand.u32 $0x1, s1;
	s5 =	sshll.u32 s0, $0x1;
	s1 =	rddreg [dreg:$0x1]  }
0x5: {  	[smem:$0x7FF] =	sst s2;
	s7 =	sshll.u32 s0, $0x6;
	s5 =	sor.u32 s4, s5  }
0x6: {  	_ =	strace $0x80000047;
	s4 =	ssub.s32 $0x2, s4;
	s6 =	sshll.u32 s5, $0x2  }
0x7: {  	s5 =	sshll.u32 s5, $0xB;
	s30 =	sshrl.u32 s4, $0x1;
	s6 =	sor.u32 s7, s6  }
0x8: {  	s5 =	sadd.s32 s5, s3;
	s31 =	ssub.s32 s4, s30;
	s6 =	sand.u32 $0x38C, s6  }
0x9: {  	v0 =	vlaneseq.u32;
	s7 =	simm.s32 $0x1;
	s6 =	sadd.s32 s6, s3;
	s3 =	sadd.s32 $0xA00, s5  }
0xa: {  	v1 =	vimm.f32 $-Inf;
	v0 =	vmul.u32 $0xFFFFFFFF, v0;
	s4 =	sadd.s32 $0x10A00, s6;
	s5 =	sadd.s32 $0x10A10, s6;
	s6 =	smax.u32 s31, $0x1  }
.LBB2_1:
0xb: {  	[tilespmem:s2], [sflag:$0x1] =	stream.linear.gather [hbm4b:s3+s2], $0x4000, $0x38;
	[tilespmem:$0x4100] =	vst v63  }
0xc: {  	_ =	swait.ge [sflag:s7], $0x4000  }
0xd: {  	[sflag:s7] =	ssyncset.done $0x0  }
0xe: {  	s11 =	simm.s32 $0x0;
	[sflag:s7] =	ssyncadd.s32 $0xFFFFC000  }
.LBB2_2:
0xf: {  	s13 =	simm.s32 $0x0  }
0x10: {  	s12 =	sshll.u32 s11, $0x9;
	s14 =	sand.u32 $0x180, s13  }
0x11: {  	s15 =	sand.u32 $0x70, s13;
	s14 =	sadd.s32 s14, s12  }
0x12: {  	s15 =	sadd.s32 s15, s14  }
0x13: {  	v4 =	vld [tilespmem:s15+$0x0]  }
0x14: {  	v3 =	vimm.f32 $-Inf;
	v2 =	vimm.s32 $0x0;
	s14 =	simm.s32 $0x1;
	s15 =	simm.s32 $0x10  }
.LBB2_3:
0x15: {  	s16 =	sand.u32 $0x180, s15  }
0x16: {  	p0 =	sne.s32 s14, $0x1F;
	s17 =	smov.u32 s14;
	s14 =	sadd.s32 $0x1, s14  }
.Ltmp0:
0x17: {  	s18 =	sand.u32 $0x70, s15;
	s16 =	sadd.s32 s16, s12;
	(pc) =	sbr.rel @p0 .LBB2_3-.Ltmp0, $3  }
0x18: {  	s16 =	sadd.s32 s18, s16;
	vm0 =	vgt.f32 v4, v3  }
0x19: {  	v3 =	vsel vm0, v4, v3;
	v4 =	vld [tilespmem:s16+$0x0];
	v2 =	vsel vm0, s13, v2;
	s13 =	smov.u32 s17;
	_ =	sdelay $0x1  }
0x1a: {  	s15 =	sadd.s32 $0x10, s15  }
0x1b: {  	_ =	sdelay $0x1  }
0x1c: {  	vm0 =	vgt.f32 v4, v3  }
0x1d: {  	v3 =	vsel vm0, v4, v3  }
0x1e: {  	(xrf0) =	vmax.scan.msk.f32 $0xffff, v3;
	_ =	sdelay $0x5  }
0x1f: {  	v2 =	vsel vm0, s13, v2;
	v4, _, _ =	vpop (xrf0)  }
0x20: {  	v2 =	vshll.u32 v2, $0x4;
	v4 =	vbroadcast v4, $0xF  }
0x21: {  	v2 =	vsub.s32 v0, v2  }
0x22: {  	v2 =	vxor.u32 $0x80000000, v2;
	vm15 =	veq.f32 v3, v4  }
0x23: {  	v2 =	vnsel vm15, $0x7FFFFE00, v2  }
0x24: {  	(xrf0) =	vmax.scan.msk.u32 $0xffff, v2;
	_ =	sdelay $0x5  }
0x25: {  	v2, _, _ =	vpop (xrf0)  }
0x26: {  	(v2sf) =	vpush v2, $0xF;
	_ =	sdelay $0xe  }
0x27: {  	s31 =	spop (v2sf)  }
0x28: {  	s13 =	sxor.u32 $0x7FFFFFFF, s31  }
0x29: {  	s13 =	sadd.s32 $0x1, s13  }
0x2a: {  	s14 =	sadd.s32 s12, s13  }
0x2b: {  	v3 =	vmov s14;
	_ =	sdelay $0x1  }
0x2c: {  	s14 =	simm.s32 $0x0  }
0x2d: {  	s15 =	sand.u32 $0x180, s14  }
0x2e: {  	v2 =	vimm.f32 $-Inf;
	s16 =	sand.u32 $0x70, s14;
	s15 =	sadd.s32 s15, s12  }
0x2f: {  	s16 =	sadd.s32 s16, s15;
	[tilespmem:v3+s14+$0x0] =	vst.idx.msk $0x1, v2  }
0x30: {  	v4 =	vld [tilespmem:s16+$0x0]  }
0x31: {  	s15 =	simm.s32 $0x1;
	v3 =	vimm.s32 $0x0;
	s16 =	simm.s32 $0x10  }
.LBB2_5:
0x32: {  	s17 =	sand.u32 $0x180, s16  }
0x33: {  	p0 =	sne.s32 s15, $0x1F;
	s18 =	smov.u32 s15;
	s15 =	sadd.s32 $0x1, s15  }
.Ltmp1:
0x34: {  	s19 =	sand.u32 $0x70, s16;
	s17 =	sadd.s32 s17, s12;
	(pc) =	sbr.rel @p0 .LBB2_5-.Ltmp1, $3  }
0x35: {  	s17 =	sadd.s32 s19, s17;
	vm0 =	vgt.f32 v4, v2  }
0x36: {  	v2 =	vsel vm0, v4, v2;
	v4 =	vld [tilespmem:s17+$0x0];
	v3 =	vsel vm0, s14, v3;
	s14 =	smov.u32 s18;
	_ =	sdelay $0x1  }
0x37: {  	s16 =	sadd.s32 $0x10, s16  }
0x38: {  	_ =	sdelay $0x1  }
0x39: {  	vm0 =	vgt.f32 v4, v2  }
0x3a: {  	v2 =	vsel vm0, v4, v2  }
0x3b: {  	(xrf0) =	vmax.scan.msk.f32 $0xffff, v2;
	_ =	sdelay $0x5  }
0x3c: {  	v3 =	vsel vm0, s14, v3;
	v4, _, _ =	vpop (xrf0)  }
0x3d: {  	v3 =	vshll.u32 v3, $0x4;
	v4 =	vbroadcast v4, $0xF  }
0x3e: {  	v3 =	vsub.s32 v0, v3  }
0x3f: {  	vm15 =	veq.f32 v2, v4;
	v2 =	vxor.u32 $0x80000000, v3  }
0x40: {  	v2 =	vnsel vm15, $0x7FFFFE00, v2  }
0x41: {  	(xrf0) =	vmax.scan.msk.u32 $0xffff, v2;
	_ =	sdelay $0x5  }
0x42: {  	v2, _, _ =	vpop (xrf0)  }
0x43: {  	(v2sf) =	vpush v2, $0xF;
	_ =	sdelay $0xe  }
0x44: {  	s31 =	spop (v2sf)  }
0x45: {  	s14 =	sxor.u32 $0x7FFFFFFF, s31  }
0x46: {  	s14 =	sadd.s32 $0x1, s14  }
0x47: {  	s15 =	sadd.s32 s12, s14  }
0x48: {  	v3 =	vmov s15;
	_ =	sdelay $0x1  }
0x49: {  	s15 =	simm.s32 $0x0  }
0x4a: {  	s16 =	sand.u32 $0x180, s15  }
0x4b: {  	v2 =	vimm.f32 $-Inf;
	s17 =	sand.u32 $0x70, s15;
	s16 =	sadd.s32 s16, s12  }
0x4c: {  	s17 =	sadd.s32 s17, s16;
	[tilespmem:v3+s15+$0x0] =	vst.idx.msk $0x1, v2  }
0x4d: {  	v4 =	vld [tilespmem:s17+$0x0]  }
0x4e: {  	s16 =	simm.s32 $0x1;
	v3 =	vimm.s32 $0x0;
	s17 =	simm.s32 $0x10  }
.LBB2_7:
0x4f: {  	s18 =	sand.u32 $0x180, s17  }
0x50: {  	p0 =	sne.s32 s16, $0x1F;
	s19 =	smov.u32 s16;
	s16 =	sadd.s32 $0x1, s16  }
.Ltmp2:
0x51: {  	s20 =	sand.u32 $0x70, s17;
	s18 =	sadd.s32 s18, s12;
	(pc) =	sbr.rel @p0 .LBB2_7-.Ltmp2, $3  }
0x52: {  	s18 =	sadd.s32 s20, s18;
	vm0 =	vgt.f32 v4, v2  }
0x53: {  	v2 =	vsel vm0, v4, v2;
	v4 =	vld [tilespmem:s18+$0x0];
	v3 =	vsel vm0, s15, v3;
	s15 =	smov.u32 s19;
	_ =	sdelay $0x1  }
0x54: {  	s17 =	sadd.s32 $0x10, s17  }
0x55: {  	_ =	sdelay $0x1  }
0x56: {  	vm0 =	vgt.f32 v4, v2  }
0x57: {  	v2 =	vsel vm0, v4, v2  }
0x58: {  	(xrf0) =	vmax.scan.msk.f32 $0xffff, v2;
	_ =	sdelay $0x5  }
0x59: {  	v3 =	vsel vm0, s15, v3;
	v4, _, _ =	vpop (xrf0)  }
0x5a: {  	v3 =	vshll.u32 v3, $0x4;
	v4 =	vbroadcast v4, $0xF  }
0x5b: {  	v3 =	vsub.s32 v0, v3  }
0x5c: {  	vm15 =	veq.f32 v2, v4;
	v2 =	vxor.u32 $0x80000000, v3  }
0x5d: {  	v2 =	vnsel vm15, $0x7FFFFE00, v2  }
0x5e: {  	(xrf0) =	vmax.scan.msk.u32 $0xffff, v2;
	_ =	sdelay $0x5  }
0x5f: {  	v2, _, _ =	vpop (xrf0)  }
0x60: {  	(v2sf) =	vpush v2, $0xF;
	_ =	sdelay $0xe  }
0x61: {  	s31 =	spop (v2sf)  }
0x62: {  	s15 =	sxor.u32 $0x7FFFFFFF, s31  }
0x63: {  	s15 =	sadd.s32 $0x1, s15  }
0x64: {  	s16 =	sadd.s32 s12, s15  }
0x65: {  	v3 =	vmov s16;
	_ =	sdelay $0x1  }
0x66: {  	s16 =	simm.s32 $0x0  }
0x67: {  	s17 =	sand.u32 $0x180, s16  }
0x68: {  	v2 =	vimm.f32 $-Inf;
	s18 =	sand.u32 $0x70, s16;
	s17 =	sadd.s32 s17, s12  }
0x69: {  	s18 =	sadd.s32 s18, s17;
	[tilespmem:v3+s16+$0x0] =	vst.idx.msk $0x1, v2  }
0x6a: {  	v4 =	vld [tilespmem:s18+$0x0]  }
0x6b: {  	s17 =	simm.s32 $0x1;
	v3 =	vimm.s32 $0x0;
	s18 =	simm.s32 $0x10  }
.LBB2_9:
0x6c: {  	s19 =	sand.u32 $0x180, s18  }
0x6d: {  	p0 =	sne.s32 s17, $0x1F;
	s20 =	smov.u32 s17;
	s17 =	sadd.s32 $0x1, s17  }
.Ltmp3:
0x6e: {  	s21 =	sand.u32 $0x70, s18;
	s19 =	sadd.s32 s19, s12;
	(pc) =	sbr.rel @p0 .LBB2_9-.Ltmp3, $3  }
0x6f: {  	s19 =	sadd.s32 s21, s19;
	vm0 =	vgt.f32 v4, v2  }
0x70: {  	v2 =	vsel vm0, v4, v2;
	v4 =	vld [tilespmem:s19+$0x0];
	v3 =	vsel vm0, s16, v3;
	s16 =	smov.u32 s20;
	_ =	sdelay $0x1  }
0x71: {  	s18 =	sadd.s32 $0x10, s18  }
0x72: {  	_ =	sdelay $0x1  }
0x73: {  	vm0 =	vgt.f32 v4, v2  }
0x74: {  	v2 =	vsel vm0, v4, v2  }
0x75: {  	(xrf0) =	vmax.scan.msk.f32 $0xffff, v2;
	_ =	sdelay $0x5  }
0x76: {  	v3 =	vsel vm0, s16, v3;
	v4, _, _ =	vpop (xrf0)  }
0x77: {  	v3 =	vshll.u32 v3, $0x4;
	v4 =	vbroadcast v4, $0xF  }
0x78: {  	v3 =	vsub.s32 v0, v3  }
0x79: {  	vm15 =	veq.f32 v2, v4;
	v2 =	vxor.u32 $0x80000000, v3  }
0x7a: {  	v2 =	vnsel vm15, $0x7FFFFE00, v2  }
0x7b: {  	(xrf0) =	vmax.scan.msk.u32 $0xffff, v2;
	_ =	sdelay $0x5  }
0x7c: {  	v2, _, _ =	vpop (xrf0)  }
0x7d: {  	(v2sf) =	vpush v2, $0xF;
	_ =	sdelay $0xe  }
0x7e: {  	s31 =	spop (v2sf)  }
0x7f: {  	s16 =	sxor.u32 $0x7FFFFFFF, s31  }
0x80: {  	s16 =	sadd.s32 $0x1, s16  }
0x81: {  	s17 =	sadd.s32 s12, s16  }
0x82: {  	v3 =	vmov s17;
	_ =	sdelay $0x1  }
0x83: {  	s17 =	simm.s32 $0x0  }
0x84: {  	s18 =	sand.u32 $0x180, s17  }
0x85: {  	v2 =	vimm.f32 $-Inf;
	s19 =	sand.u32 $0x70, s17;
	s18 =	sadd.s32 s18, s12  }
0x86: {  	s19 =	sadd.s32 s19, s18;
	[tilespmem:v3+s17+$0x0] =	vst.idx.msk $0x1, v2  }
0x87: {  	v4 =	vld [tilespmem:s19+$0x0]  }
0x88: {  	s18 =	simm.s32 $0x1;
	v3 =	vimm.s32 $0x0;
	s19 =	simm.s32 $0x10  }
.LBB2_11:
0x89: {  	s20 =	sand.u32 $0x180, s19  }
0x8a: {  	p0 =	sne.s32 s18, $0x1F;
	s21 =	smov.u32 s18;
	s18 =	sadd.s32 $0x1, s18  }
.Ltmp4:
0x8b: {  	s22 =	sand.u32 $0x70, s19;
	s20 =	sadd.s32 s20, s12;
	(pc) =	sbr.rel @p0 .LBB2_11-.Ltmp4, $3  }
0x8c: {  	s20 =	sadd.s32 s22, s20;
	vm0 =	vgt.f32 v4, v2  }
0x8d: {  	v2 =	vsel vm0, v4, v2;
	v4 =	vld [tilespmem:s20+$0x0];
	v3 =	vsel vm0, s17, v3;
	s17 =	smov.u32 s21;
	_ =	sdelay $0x1  }
0x8e: {  	s19 =	sadd.s32 $0x10, s19  }
0x8f: {  	_ =	sdelay $0x1  }
0x90: {  	vm0 =	vgt.f32 v4, v2  }
0x91: {  	v2 =	vsel vm0, v4, v2  }
0x92: {  	(xrf0) =	vmax.scan.msk.f32 $0xffff, v2;
	_ =	sdelay $0x5  }
0x93: {  	v3 =	vsel vm0, s17, v3;
	v63, _, _ =	vpop (xrf0)  }
0x94: {  	v3 =	vshll.u32 v3, $0x4;
	v4 =	vbroadcast v63, $0xF  }
0x95: {  	v3 =	vsub.s32 v0, v3  }
0x96: {  	vm15 =	veq.f32 v2, v4;
	v2 =	vxor.u32 $0x80000000, v3  }
0x97: {  	v2 =	vnsel vm15, $0x7FFFFE00, v2  }
0x98: {  	(xrf0) =	vmax.scan.msk.u32 $0xffff, v2;
	_ =	sdelay $0x5  }
0x99: {  	v2, _, _ =	vpop (xrf0)  }
0x9a: {  	(v2sf) =	vpush v2, $0xF;
	_ =	sdelay $0xe  }
0x9b: {  	s28 =	spop (v2sf)  }
0x9c: {  	s17 =	sxor.u32 $0x7FFFFFFF, s28  }
0x9d: {  	s17 =	sadd.s32 $0x1, s17  }
0x9e: {  	s12 =	sadd.s32 s12, s17  }
0x9f: {  	v2 =	vmov s12  }
0xa0: {  	v3 =	vmov s11;
	s11 =	sadd.s32 $0x1, s11  }
0xa1: {  	s29 =	sshll.u32 s13, $0x12;
	s30 =	sshll.u32 s14, $0x9;
	p0 =	sne.s32 s11, $0x20  }
.Ltmp5:
0xa2: {  	s12 =	sadd.s32 s29, s30;
	(pc) =	sbr.rel @p0 .LBB2_2-.Ltmp5, $4  }
0xa3: {  	s31 =	sshll.u32 s16, $0x9;
	s12 =	sadd.s32 s15, s12  }
0xa4: {  	s13 =	sadd.s32 s31, s17;
	[tilespmem:v2+s2+$0x0] =	vst.idx.msk $0x1, v1;
	v2 =	vmov s12  }
0xa5: {  	[tilespmem:v3+s8+$0x0] =	vst.idx.msk $0x1, v2;
	v2 =	vmov s13  }
0xa6: {  	[tilespmem:v3+s9+$0x0] =	vst.idx.msk $0x1, v2  }
0xa7: {  	[hbm4b:s4+s2] =	stream.linear.scatter [tilespmem:s8], [sflag:$0x1], $0x20, $0x38;
	[tilespmem:$0x4100] =	vst v63  }
0xa8: {  	s10 =	sadd.s32 $0x1, s10;
	_ =	swait.ge [sflag:s7], $0x20  }
0xa9: {  	p0 =	sne.s32 s10, s6;
	[sflag:s7] =	ssyncset.done $0x0  }
.Ltmp6:
0xaa: {  	[sflag:s7] =	ssyncadd.s32 $0xFFFFFFE0;
	(pc) =	sbr.rel @p0 .LBB2_1-.Ltmp6, $4  }
0xab: {  	[hbm4b:s5+s2] =	stream.linear.scatter [tilespmem:s9], [sflag:$0x1], $0x20, $0x38;
	[tilespmem:$0x4100] =	vst v63  }
0xac: {  	_ =	swait.ge [sflag:s7], $0x20  }
0xad: {  	[sflag:s7] =	ssyncset.done $0x0  }
0xae: {  	[sflag:s7] =	ssyncadd.s32 $0xFFFFFFE0  }
0xaf: {  	_ =	sfence.sel $0x180000  }
0xb0: {  	[bflag:$0x0] =	sbarrier.arrive $0xFFFF  }
0xb1: {  	p0 =	sne.s32 s0, $0x0;
	_ =	strace $0x90000047  }
0xb2: {  	s0 =	sadd.s32 @!p0 $0x100000, s1;
	[bflag:$0x2] =	sbarrier.arrive $0xFFFF  }
0xb3: {  	[sflag:s0] =	ssyncadd.tile.s32 @!p0 $0x1;
	_ =	shalt  }
.Lfunc_end2:
_tile_overlayer_lowered:
.L_overlay_start_2:
0xb4: {  	(tag) =	ssettag $0x2  }
0xb5: {  	s0 =	rddreg [dreg:$0x0];
	s2 =	stileid.u32  }
0xb6: {  	s1 =	rddreg [dreg:$0x1];
	p0 =	sne.s32 s2, $0x0  }
0xb7: {  	s3 =	rddreg [dreg:$0x2];
	[bflag:$0x3] =	sbarrier.arrive $0xFFFF;
	s2 =	simm.s32 @!p0 $0x1C01  }
0xb8: {  	[timem:s3], [sflag:s2] =	dma.local @!p0 [hbm:s0], s1  }
0xb9: {  	s0 =	simm.s32 @!p0 $0x1  }
0xba: {  	_ =	swait.ge @!p0 [sflag:s0], s1  }
0xbb: {  	s1 =	ssub.s32 @!p0 $0x0, s1;
	[sflag:s0] =	ssyncset.done @!p0 $0x0  }
0xbc: {  	[sflag:s0] =	ssyncadd.s32 @!p0 s1  }
0xbd: {  	[bflag:$0x3] =	sbarrier.arrive $0xFFFF  }
0xbe: {  	_ =	shalt  }

</sc_bundles>
